<compile_context>
chip_gen: v7x
topology: tpu7x:2x2x1
jax: 0.10.2.dev20260603
libtpu: 0.0.44.dev20260713+nightly
codegen_flags: <defaults>
</compile_context>

<pallas_src>
import functools

import jax
import jax.numpy as jnp
from jax import lax
from jax.experimental import pallas as pl
from jax.experimental.pallas import tpu as pltpu
from jax.experimental.pallas import tpu_sc as plsc

N = 10000
E = 320000
D = 128

NC = 2
NS = 16
CHUNK = 128
NW = NC * NS
NBUF = 2
CPT = 80
HPT = CPT // 2
EP = CPT * CHUNK * NW
TR = 10240
RPT = TR // NS

_mesh = plsc.VectorSubcoreMesh(core_axis_name="c", subcore_axis_name="s")


EPW = E // NW
EPWP = CPT * CHUNK


@functools.partial(
    pl.kernel,
    out_type=jax.ShapeDtypeStruct((NW, TR), jnp.float32),
    mesh=_mesh,
    compiler_params=pltpu.CompilerParams(needs_layout_passes=False),
    scratch_types=[
        pltpu.VMEM((EPWP,), jnp.int32),
        pltpu.VMEM((TR,), jnp.float32),
    ],
)
def _deg_kernel(eif_hbm, out_hbm, idx_v, hist):
    c = lax.axis_index("c")
    s = lax.axis_index("s")
    wid = c * NS + s
    pltpu.sync_copy(eif_hbm.at[pl.ds(E + wid * EPW, EPW)], idx_v.at[pl.ds(0, EPW)])
    for k in range((EPWP - EPW) // 16):
        idx_v[pl.ds(EPW + 16 * k, 16)] = N + 16 * k + lax.iota(jnp.int32, 16)

    def zbody(i, carry):
        for u in range(8):
            hist[pl.ds(i * 128 + u * 16, 16)] = jnp.zeros((16,), jnp.float32)
        return carry

    lax.fori_loop(0, TR // 128, zbody, 0)

    def body(j, carry):
        for u in range(4):
            x = idx_v[pl.ds(j * 64 + u * 16, 16)]
            cnt, last = plsc.scan_count(x)
            plsc.addupdate_scatter(hist, [x], cnt.astype(jnp.float32), mask=last)
        return carry

    lax.fori_loop(0, EPWP // 64, body, 0)
    pltpu.sync_copy(hist, out_hbm.at[wid])


@functools.partial(
    pl.kernel,
    out_type=jax.ShapeDtypeStruct((NC, TR, D), jnp.float32),
    mesh=_mesh,
    scratch_types=[
        pltpu.VMEM((EPWP,), jnp.int32),
        pltpu.VMEM((HPT, CHUNK), jnp.int32),
        pltpu.VMEM((NBUF, CHUNK, D), jnp.float32),
        pltpu.VMEM_SHARED((TR, D), jnp.float32),
    ] + [pltpu.SemaphoreType.DMA] * (2 * NBUF),
)
def _agg_kernel(hp_hbm, eif_hbm, dstp_hbm, out_hbm,
                idx_s, idx_d, buf, agg_sh, *sems):
    gsems, ssems = sems[:NBUF], sems[NBUF:]
    c = lax.axis_index("c")
    s = lax.axis_index("s")
    wid = c * NS + s
    pltpu.sync_copy(eif_hbm.at[pl.ds(wid * EPW, EPW)], idx_s.at[pl.ds(0, EPW)])
    for k in range((EPWP - EPW) // 16):
        idx_s[pl.ds(EPW + 16 * k, 16)] = wid * 256 + 16 * k + lax.iota(jnp.int32, 16)

    def zrow(r, carry):
        for k in range(D // 16):
            buf[0, r, pl.ds(k * 16, 16)] = jnp.zeros((16,), jnp.float32)
        return carry

    lax.fori_loop(0, CHUNK, zrow, 0)
    for q in range(RPT // CHUNK):
        pltpu.sync_copy(buf.at[0], agg_sh.at[pl.ds(s * RPT + q * CHUNK, CHUNK)])
    plsc.subcore_barrier()

    def _gwait(b, j):
        pltpu.make_async_copy(hp_hbm.at[idx_s.at[pl.ds(j * CHUNK, CHUNK)]],
                              buf.at[b], gsems[b]).wait()

    def _sstart(b, j):
        pltpu.async_copy(buf.at[b], agg_sh.at[idx_d.at[j]], ssems[b], add=True)

    def _swait(b, j):
        pltpu.make_async_copy(buf.at[b], agg_sh.at[idx_d.at[j]], ssems[b]).wait()

    def _gstart(b, j):
        pltpu.async_copy(hp_hbm.at[idx_s.at[pl.ds(j * CHUNK, CHUNK)]],
                         buf.at[b], gsems[b])

    for p in range(CPT // HPT):
        j0 = p * HPT
        pltpu.sync_copy(dstp_hbm.at[wid, pl.ds(p * HPT, HPT)], idx_d)
        for b in range(NBUF):
            _gstart(b, j0 + b)

        def body(i, carry):
            for b in range(NBUF):
                j = NBUF * i + b
                _gwait(b, j0 + j)
                _sstart(b, j)
            for b in range(NBUF):
                j = NBUF * i + b
                _swait(b, j)
                _gstart(b, j0 + j + NBUF)
            return carry

        lax.fori_loop(0, HPT // NBUF - 1, body, 0)
        for b in range(NBUF):
            j = HPT - NBUF + b
            _gwait(b, j0 + j)
            _sstart(b, j)
        for b in range(NBUF):
            j = HPT - NBUF + b
            _swait(b, j)
    plsc.subcore_barrier()
    pltpu.sync_copy(agg_sh.at[pl.ds(s * RPT, RPT)],
                    out_hbm.at[c, pl.ds(s * RPT, RPT)])


BM = 2000


def _yscale_body(x_ref, degc_ref, y_ref):
    dinv = lax.rsqrt(degc_ref[...] + 1.0)
    y_ref[...] = x_ref[...] * dinv


def _yscale(x, degc):
    return pl.pallas_call(
        _yscale_body,
        grid=(N // BM,),
        in_specs=[
            pl.BlockSpec((BM, D), lambda i: (i, 0)),
            pl.BlockSpec((BM, 1), lambda i: (i, 0)),
        ],
        out_specs=pl.BlockSpec((BM, D), lambda i: (i, 0)),
        out_shape=jax.ShapeDtypeStruct((N, D), jnp.float32),
    )(x, degc)


def _final_body(x_ref, y_ref, aggp_ref, degc_ref, w_ref, b_ref, out_ref):
    dinv = lax.rsqrt(degc_ref[...] + 1.0)
    z = (aggp_ref[0] + aggp_ref[1] + y_ref[...]) * dinv
    h = jnp.dot(z, w_ref[...], preferred_element_type=jnp.float32)
    out_ref[...] = x_ref[...] + jnp.maximum(h + b_ref[...], 0.0)


def _final(x, y, aggp, degc, w, b):
    return pl.pallas_call(
        _final_body,
        grid=(N // BM,),
        in_specs=[
            pl.BlockSpec((BM, D), lambda i: (i, 0)),
            pl.BlockSpec((BM, D), lambda i: (i, 0)),
            pl.BlockSpec((NC, BM, D), lambda i: (0, i, 0)),
            pl.BlockSpec((BM, 1), lambda i: (i, 0)),
            pl.BlockSpec((D, D), lambda i: (0, 0)),
            pl.BlockSpec((1, D), lambda i: (0, 0)),
        ],
        out_specs=pl.BlockSpec((BM, D), lambda i: (i, 0)),
        out_shape=jax.ShapeDtypeStruct((N, D), jnp.float32),
    )(x, y, aggp, degc, w, b.reshape(1, D))


def kernel(x, edge_index, W, b):
    eif = edge_index.astype(jnp.int32).reshape(2 * E)
    padd = jnp.broadcast_to(N + jnp.arange(EPWP - EPW, dtype=jnp.int32),
                            (NW, EPWP - EPW))
    dstp = jnp.concatenate([lax.slice(eif, (E,), (2 * E,)).reshape(NW, EPW),
                            padd], axis=1)
    dstp = dstp.reshape(NW, CPT, CHUNK)

    degp = _deg_kernel(eif)
    degc = jnp.sum(degp[..., None], axis=0)
    y = _yscale(x, degc)
    aggp = _agg_kernel(y, eif, dstp)
    return _final(x, y, aggp, degc, W, b)

# --- scband reference (transcript-rebuilt; emitter-appended) ---
"""Pipeline reference for scband-gcnconv-layer-13048110645761 (READ-ONLY COPY).

The authoritative reference and input builder live on the scoring server;
editing this copy changes nothing except your own understanding.
"""

import jax, jax.numpy as jnp
import numpy as np

N_NODES = 10000
N_EDGES = 320000
DIM_IN = 128
DIM_OUT = 128

def setup_inputs(seed: int = 0) -> dict:
    key = jax.random.key(seed)
    k1, k2, k3, k4 = jax.random.split(key, 4)
    x = jax.random.normal(k1, (N_NODES, DIM_IN), dtype=jnp.float32)
    edge_index = jax.random.randint(k2, (2, N_EDGES), 0, N_NODES, dtype=jnp.int64)
    W = jax.random.normal(k3, (DIM_IN, DIM_OUT), dtype=jnp.float32) / np.sqrt(DIM_IN)
    b = jax.random.normal(k4, (DIM_OUT,), dtype=jnp.float32) * 0.01
    return {"x": x, "edge_index": edge_index, "W": W, "b": b}

def reference(x, edge_index, W, b):
    # GCNConv with add_self_loops=True, symmetric normalization, bias=True,
    # followed by ReLU activation (dropout is identity in eval) and residual add.
    N = x.shape[0]
    loop = jnp.arange(N, dtype=edge_index.dtype)
    src = jnp.concatenate([edge_index[0], loop])
    dst = jnp.concatenate([edge_index[1], loop])
    # degree computed on dst with edge weight 1.0 (incl. self loops)
    deg = jnp.zeros((N,), dtype=x.dtype).at[dst].add(1.0)
    deg_inv_sqrt = jnp.where(deg > 0, jax.lax.rsqrt(deg), 0.0)
    norm = deg_inv_sqrt[src] * deg_inv_sqrt[dst]
    h = x @ W  # linear transform first (standard GCNConv)
    msgs = jnp.take(h, src, axis=0) * norm[:, None]
    agg = jnp.zeros((N, h.shape[1]), dtype=x.dtype).at[dst].add(msgs)
    out = agg + b
    out = jax.nn.relu(out)  # act = ReLU; Dropout is identity at inference
    out = x + out           # residual connection (dim_in == dim_out)
    return out

if __name__ == "__main__":
    import jax
    _d = setup_inputs()
    print(jax.jit(kernel)(*tuple(_d.values())))

</pallas_src>

<mosaic_0001>
#map = affine_map<(d0, d1) -> (0, 0)>
#map1 = affine_map<(d0, d1) -> (0)>
#map2 = affine_map<(d0, d1) -> (0, 0, 0)>
module attributes {stable_mosaic.version = 14 : i64} {
  func.func @_agg_kernel(%arg0: i32, %arg1: i32, %arg2: memref<10000x128xf32, #tpu.memory_space<hbm>>, %arg3: memref<640000xi32, #tpu.memory_space<hbm>>, %arg4: memref<32x80x128xi32, #tpu.memory_space<hbm>>, %arg5: memref<2x10240x128xf32, #tpu.memory_space<hbm>>, %arg6: memref<10240xi32, #tpu.memory_space<vmem>>, %arg7: memref<40x128xi32, #tpu.memory_space<vmem>>, %arg8: memref<2x128x128xf32, #tpu.memory_space<vmem>>, %arg9: memref<10240x128xf32, #tpu.memory_space<vmem_shared>>, %arg10: memref<!tpu.dma_semaphore, #tpu.memory_space<semaphore_mem>>, %arg11: memref<!tpu.dma_semaphore, #tpu.memory_space<semaphore_mem>>, %arg12: memref<!tpu.dma_semaphore, #tpu.memory_space<semaphore_mem>>, %arg13: memref<!tpu.dma_semaphore, #tpu.memory_space<semaphore_mem>>) attributes {dimension_semantics = [#tpu.dimension_semantics<core_parallel>, #tpu.dimension_semantics<subcore_parallel>], iteration_bounds = array<i64: 2, 16>, scalar_prefetch = 0 : i64, scratch_operands = 8 : i64, tpu.core_type = #tpu.core_type<sc_vector_subcore>, window_params = [{transform_indices = #map}, {transform_indices = #map1}, {transform_indices = #map2}, {transform_indices = #map2}]} {
    %mul3A = arith.constant 16 : i32
    %mul3A_0 = arith.muli %arg0, %mul3A : i32
    %add3A = arith.addi %mul3A_0, %arg1 : i32
    %mul3A_1 = arith.constant 10000 : i32
    %mul3A_2 = arith.muli %add3A, %mul3A_1 : i32
    "tpu.region"() ({
      %run_scoped3A_356 = tpu.sem_alloc : memref<!tpu.dma_semaphore, #tpu.memory_space<semaphore_mem>>
      %dma_start3A_357 = arith.constant 0 : i32
      %dma_start3A_358 = tpu.memref_slice %arg6[%dma_start3A_357] : memref<10240xi32, #tpu.memory_space<vmem>> -> memref<10000xi32, #tpu.memory_space<vmem>>
      %dma_start3A_359 = tpu.memref_slice %arg3[%mul3A_2] : memref<640000xi32, #tpu.memory_space<hbm>> -> memref<10000xi32, #tpu.memory_space<hbm>>
      %dma_start3A_360 = arith.constant 0 : i32
      %dma_start3A_361 = tpu.memref_slice %arg6[%dma_start3A_360] : memref<10240xi32, #tpu.memory_space<vmem>> -> memref<10000xi32, #tpu.memory_space<vmem>>
      %dma_start3A_362 = tpu.memref_slice %arg3[%mul3A_2] : memref<640000xi32, #tpu.memory_space<hbm>> -> memref<10000xi32, #tpu.memory_space<hbm>>
      tpu.enqueue_dma source(%dma_start3A_362 : memref<10000xi32, #tpu.memory_space<hbm>>) target(%dma_start3A_361 : memref<10000xi32, #tpu.memory_space<vmem>>) target_semaphore(%run_scoped3A_356 : memref<!tpu.dma_semaphore, #tpu.memory_space<semaphore_mem>>)
      %dma_wait3A_363 = arith.constant 0 : i32
      %dma_wait3A_364 = tpu.memref_slice %arg6[%dma_wait3A_363] : memref<10240xi32, #tpu.memory_space<vmem>> -> memref<10000xi32, #tpu.memory_space<vmem>>
      %dma_wait3A_365 = tpu.memref_slice %arg3[%mul3A_2] : memref<640000xi32, #tpu.memory_space<hbm>> -> memref<10000xi32, #tpu.memory_space<hbm>>
      %dma_wait3A_366 = arith.constant 0 : i32
      %dma_wait3A_367 = tpu.memref_slice %arg6[%dma_wait3A_366] : memref<10240xi32, #tpu.memory_space<vmem>> -> memref<10000xi32, #tpu.memory_space<vmem>>
      %dma_wait3A_368 = tpu.memref_slice %arg3[%mul3A_2] : memref<640000xi32, #tpu.memory_space<hbm>> -> memref<10000xi32, #tpu.memory_space<hbm>>
      tpu.wait_dma2 semaphore(%run_scoped3A_356 : memref<!tpu.dma_semaphore, #tpu.memory_space<semaphore_mem>>) src(%dma_wait3A_368 : memref<10000xi32, #tpu.memory_space<hbm>>) dst(%dma_wait3A_367 : memref<10000xi32, #tpu.memory_space<vmem>>)
      tpu.yield
    }) : () -> ()
    %mul3A_3 = arith.constant 256 : i32
    %mul3A_4 = arith.muli %add3A, %mul3A_3 : i32
    %add3A_5 = arith.constant 0 : i32
    %add3A_6 = arith.addi %mul3A_4, %add3A_5 : i32
    %iota3A = tpu.iota {dimensions = array<i32: 0>} : vector<16xi32>
    %add3A_7 = vector.broadcast %add3A_6 : i32 to vector<16xi32>
    %add3A_8 = arith.addi %add3A_7, %iota3A : vector<16xi32>
    %swap3A = arith.constant 10000 : index
    %swap3A_9 = tpu.vector_load %arg6[%swap3A] {strides = array<i32>} : memref<10240xi32, #tpu.memory_space<vmem>>, vector<16xi32>,
    tpu.vector_store %arg6[%swap3A], %add3A_8 {strides = array<i32>} : memref<10240xi32, #tpu.memory_space<vmem>>, vector<16xi32>,
    %mul3A_10 = arith.constant 256 : i32
    %mul3A_11 = arith.muli %add3A, %mul3A_10 : i32
    %add3A_12 = arith.constant 16 : i32
    %add3A_13 = arith.addi %mul3A_11, %add3A_12 : i32
    %iota3A_14 = tpu.iota {dimensions = array<i32: 0>} : vector<16xi32>
    %add3A_15 = vector.broadcast %add3A_13 : i32 to vector<16xi32>
    %add3A_16 = arith.addi %add3A_15, %iota3A_14 : vector<16xi32>
    %swap3A_17 = arith.constant 10016 : index
    %swap3A_18 = tpu.vector_load %arg6[%swap3A_17] {strides = array<i32>} : memref<10240xi32, #tpu.memory_space<vmem>>, vector<16xi32>,
    tpu.vector_store %arg6[%swap3A_17], %add3A_16 {strides = array<i32>} : memref<10240xi32, #tpu.memory_space<vmem>>, vector<16xi32>,
    %mul3A_19 = arith.constant 256 : i32
    %mul3A_20 = arith.muli %add3A, %mul3A_19 : i32
    %add3A_21 = arith.constant 32 : i32
    %add3A_22 = arith.addi %mul3A_20, %add3A_21 : i32
    %iota3A_23 = tpu.iota {dimensions = array<i32: 0>} : vector<16xi32>
    %add3A_24 = vector.broadcast %add3A_22 : i32 to vector<16xi32>
    %add3A_25 = arith.addi %add3A_24, %iota3A_23 : vector<16xi32>
    %swap3A_26 = arith.constant 10032 : index
    %swap3A_27 = tpu.vector_load %arg6[%swap3A_26] {strides = array<i32>} : memref<10240xi32, #tpu.memory_space<vmem>>, vector<16xi32>,
    tpu.vector_store %arg6[%swap3A_26], %add3A_25 {strides = array<i32>} : memref<10240xi32, #tpu.memory_space<vmem>>, vector<16xi32>,
    %mul3A_28 = arith.constant 256 : i32
    %mul3A_29 = arith.muli %add3A, %mul3A_28 : i32
    %add3A_30 = arith.constant 48 : i32
    %add3A_31 = arith.addi %mul3A_29, %add3A_30 : i32
    %iota3A_32 = tpu.iota {dimensions = array<i32: 0>} : vector<16xi32>
    %add3A_33 = vector.broadcast %add3A_31 : i32 to vector<16xi32>
    %add3A_34 = arith.addi %add3A_33, %iota3A_32 : vector<16xi32>
    %swap3A_35 = arith.constant 10048 : index
    %swap3A_36 = tpu.vector_load %arg6[%swap3A_35] {strides = array<i32>} : memref<10240xi32, #tpu.memory_space<vmem>>, vector<16xi32>,
    tpu.vector_store %arg6[%swap3A_35], %add3A_34 {strides = array<i32>} : memref<10240xi32, #tpu.memory_space<vmem>>, vector<16xi32>,
    %mul3A_37 = arith.constant 256 : i32
    %mul3A_38 = arith.muli %add3A, %mul3A_37 : i32
    %add3A_39 = arith.constant 64 : i32
    %add3A_40 = arith.addi %mul3A_38, %add3A_39 : i32
    %iota3A_41 = tpu.iota {dimensions = array<i32: 0>} : vector<16xi32>
    %add3A_42 = vector.broadcast %add3A_40 : i32 to vector<16xi32>
    %add3A_43 = arith.addi %add3A_42, %iota3A_41 : vector<16xi32>
    %swap3A_44 = arith.constant 10064 : index
    %swap3A_45 = tpu.vector_load %arg6[%swap3A_44] {strides = array<i32>} : memref<10240xi32, #tpu.memory_space<vmem>>, vector<16xi32>,
    tpu.vector_store %arg6[%swap3A_44], %add3A_43 {strides = array<i32>} : memref<10240xi32, #tpu.memory_space<vmem>>, vector<16xi32>,
    %mul3A_46 = arith.constant 256 : i32
    %mul3A_47 = arith.muli %add3A, %mul3A_46 : i32
    %add3A_48 = arith.constant 80 : i32
    %add3A_49 = arith.addi %mul3A_47, %add3A_48 : i32
    %iota3A_50 = tpu.iota {dimensions = array<i32: 0>} : vector<16xi32>
    %add3A_51 = vector.broadcast %add3A_49 : i32 to vector<16xi32>
    %add3A_52 = arith.addi %add3A_51, %iota3A_50 : vector<16xi32>
    %swap3A_53 = arith.constant 10080 : index
    %swap3A_54 = tpu.vector_load %arg6[%swap3A_53] {strides = array<i32>} : memref<10240xi32, #tpu.memory_space<vmem>>, vector<16xi32>,
    tpu.vector_store %arg6[%swap3A_53], %add3A_52 {strides = array<i32>} : memref<10240xi32, #tpu.memory_space<vmem>>, vector<16xi32>,
    %mul3A_55 = arith.constant 256 : i32
    %mul3A_56 = arith.muli %add3A, %mul3A_55 : i32
    %add3A_57 = arith.constant 96 : i32
    %add3A_58 = arith.addi %mul3A_56, %add3A_57 : i32
    %iota3A_59 = tpu.iota {dimensions = array<i32: 0>} : vector<16xi32>
    %add3A_60 = vector.broadcast %add3A_58 : i32 to vector<16xi32>
    %add3A_61 = arith.addi %add3A_60, %iota3A_59 : vector<16xi32>
    %swap3A_62 = arith.constant 10096 : index
    %swap3A_63 = tpu.vector_load %arg6[%swap3A_62] {strides = array<i32>} : memref<10240xi32, #tpu.memory_space<vmem>>, vector<16xi32>,
    tpu.vector_store %arg6[%swap3A_62], %add3A_61 {strides = array<i32>} : memref<10240xi32, #tpu.memory_space<vmem>>, vector<16xi32>,
    %mul3A_64 = arith.constant 256 : i32
    %mul3A_65 = arith.muli %add3A, %mul3A_64 : i32
    %add3A_66 = arith.constant 112 : i32
    %add3A_67 = arith.addi %mul3A_65, %add3A_66 : i32
    %iota3A_68 = tpu.iota {dimensions = array<i32: 0>} : vector<16xi32>
    %add3A_69 = vector.broadcast %add3A_67 : i32 to vector<16xi32>
    %add3A_70 = arith.addi %add3A_69, %iota3A_68 : vector<16xi32>
    %swap3A_71 = arith.constant 10112 : index
    %swap3A_72 = tpu.vector_load %arg6[%swap3A_71] {strides = array<i32>} : memref<10240xi32, #tpu.memory_space<vmem>>, vector<16xi32>,
    tpu.vector_store %arg6[%swap3A_71], %add3A_70 {strides = array<i32>} : memref<10240xi32, #tpu.memory_space<vmem>>, vector<16xi32>,
    %mul3A_73 = arith.constant 256 : i32
    %mul3A_74 = arith.muli %add3A, %mul3A_73 : i32
    %add3A_75 = arith.constant 128 : i32
    %add3A_76 = arith.addi %mul3A_74, %add3A_75 : i32
    %iota3A_77 = tpu.iota {dimensions = array<i32: 0>} : vector<16xi32>
    %add3A_78 = vector.broadcast %add3A_76 : i32 to vector<16xi32>
    %add3A_79 = arith.addi %add3A_78, %iota3A_77 : vector<16xi32>
    %swap3A_80 = arith.constant 10128 : index
    %swap3A_81 = tpu.vector_load %arg6[%swap3A_80] {strides = array<i32>} : memref<10240xi32, #tpu.memory_space<vmem>>, vector<16xi32>,
    tpu.vector_store %arg6[%swap3A_80], %add3A_79 {strides = array<i32>} : memref<10240xi32, #tpu.memory_space<vmem>>, vector<16xi32>,
    %mul3A_82 = arith.constant 256 : i32
    %mul3A_83 = arith.muli %add3A, %mul3A_82 : i32
    %add3A_84 = arith.constant 144 : i32
    %add3A_85 = arith.addi %mul3A_83, %add3A_84 : i32
    %iota3A_86 = tpu.iota {dimensions = array<i32: 0>} : vector<16xi32>
    %add3A_87 = vector.broadcast %add3A_85 : i32 to vector<16xi32>
    %add3A_88 = arith.addi %add3A_87, %iota3A_86 : vector<16xi32>
    %swap3A_89 = arith.constant 10144 : index
    %swap3A_90 = tpu.vector_load %arg6[%swap3A_89] {strides = array<i32>} : memref<10240xi32, #tpu.memory_space<vmem>>, vector<16xi32>,
    tpu.vector_store %arg6[%swap3A_89], %add3A_88 {strides = array<i32>} : memref<10240xi32, #tpu.memory_space<vmem>>, vector<16xi32>,
    %mul3A_91 = arith.constant 256 : i32
    %mul3A_92 = arith.muli %add3A, %mul3A_91 : i32
    %add3A_93 = arith.constant 160 : i32
    %add3A_94 = arith.addi %mul3A_92, %add3A_93 : i32
    %iota3A_95 = tpu.iota {dimensions = array<i32: 0>} : vector<16xi32>
    %add3A_96 = vector.broadcast %add3A_94 : i32 to vector<16xi32>
    %add3A_97 = arith.addi %add3A_96, %iota3A_95 : vector<16xi32>
    %swap3A_98 = arith.constant 10160 : index
    %swap3A_99 = tpu.vector_load %arg6[%swap3A_98] {strides = array<i32>} : memref<10240xi32, #tpu.memory_space<vmem>>, vector<16xi32>,
    tpu.vector_store %arg6[%swap3A_98], %add3A_97 {strides = array<i32>} : memref<10240xi32, #tpu.memory_space<vmem>>, vector<16xi32>,
    %mul3A_100 = arith.constant 256 : i32
    %mul3A_101 = arith.muli %add3A, %mul3A_100 : i32
    %add3A_102 = arith.constant 176 : i32
    %add3A_103 = arith.addi %mul3A_101, %add3A_102 : i32
    %iota3A_104 = tpu.iota {dimensions = array<i32: 0>} : vector<16xi32>
    %add3A_105 = vector.broadcast %add3A_103 : i32 to vector<16xi32>
    %add3A_106 = arith.addi %add3A_105, %iota3A_104 : vector<16xi32>
    %swap3A_107 = arith.constant 10176 : index
    %swap3A_108 = tpu.vector_load %arg6[%swap3A_107] {strides = array<i32>} : memref<10240xi32, #tpu.memory_space<vmem>>, vector<16xi32>,
    tpu.vector_store %arg6[%swap3A_107], %add3A_106 {strides = array<i32>} : memref<10240xi32, #tpu.memory_space<vmem>>, vector<16xi32>,
    %mul3A_109 = arith.constant 256 : i32
    %mul3A_110 = arith.muli %add3A, %mul3A_109 : i32
    %add3A_111 = arith.constant 192 : i32
    %add3A_112 = arith.addi %mul3A_110, %add3A_111 : i32
    %iota3A_113 = tpu.iota {dimensions = array<i32: 0>} : vector<16xi32>
    %add3A_114 = vector.broadcast %add3A_112 : i32 to vector<16xi32>
    %add3A_115 = arith.addi %add3A_114, %iota3A_113 : vector<16xi32>
    %swap3A_116 = arith.constant 10192 : index
    %swap3A_117 = tpu.vector_load %arg6[%swap3A_116] {strides = array<i32>} : memref<10240xi32, #tpu.memory_space<vmem>>, vector<16xi32>,
    tpu.vector_store %arg6[%swap3A_116], %add3A_115 {strides = array<i32>} : memref<10240xi32, #tpu.memory_space<vmem>>, vector<16xi32>,
    %mul3A_118 = arith.constant 256 : i32
    %mul3A_119 = arith.muli %add3A, %mul3A_118 : i32
    %add3A_120 = arith.constant 208 : i32
    %add3A_121 = arith.addi %mul3A_119, %add3A_120 : i32
    %iota3A_122 = tpu.iota {dimensions = array<i32: 0>} : vector<16xi32>
    %add3A_123 = vector.broadcast %add3A_121 : i32 to vector<16xi32>
    %add3A_124 = arith.addi %add3A_123, %iota3A_122 : vector<16xi32>
    %swap3A_125 = arith.constant 10208 : index
    %swap3A_126 = tpu.vector_load %arg6[%swap3A_125] {strides = array<i32>} : memref<10240xi32, #tpu.memory_space<vmem>>, vector<16xi32>,
    tpu.vector_store %arg6[%swap3A_125], %add3A_124 {strides = array<i32>} : memref<10240xi32, #tpu.memory_space<vmem>>, vector<16xi32>,
    %mul3A_127 = arith.constant 256 : i32
    %mul3A_128 = arith.muli %add3A, %mul3A_127 : i32
    %add3A_129 = arith.constant 224 : i32
    %add3A_130 = arith.addi %mul3A_128, %add3A_129 : i32
    %iota3A_131 = tpu.iota {dimensions = array<i32: 0>} : vector<16xi32>
    %add3A_132 = vector.broadcast %add3A_130 : i32 to vector<16xi32>
    %add3A_133 = arith.addi %add3A_132, %iota3A_131 : vector<16xi32>
    %swap3A_134 = arith.constant 10224 : index
    %swap3A_135 = tpu.vector_load %arg6[%swap3A_134] {strides = array<i32>} : memref<10240xi32, #tpu.memory_space<vmem>>, vector<16xi32>,
    tpu.vector_store %arg6[%swap3A_134], %add3A_133 {strides = array<i32>} : memref<10240xi32, #tpu.memory_space<vmem>>, vector<16xi32>,
    %scan3A = arith.constant 0 : i32
    %scan3A_136 = arith.constant 0 : i32
    %scan3A_137 = arith.constant 128 : i32
    %scan3A_138 = arith.addi %scan3A_136, %scan3A_137 : i32
    %scan3A_139 = arith.constant 1 : i32
    scf.for %scan3A_356 = %scan3A_136 to %scan3A_138 step %scan3A_139  : i32 {
      %broadcast_in_dim3A = arith.constant 0.000000e+00 : f32
      %broadcast_in_dim3A_357 = vector.broadcast %broadcast_in_dim3A : f32 to vector<16xf32>
      %swap3A_358 = arith.constant 0 : i32
      %swap3A_359 = arith.index_cast %swap3A_358 : i32 to index
      %swap3A_360 = arith.index_cast %scan3A_356 : i32 to index
      %swap3A_361 = arith.constant 0 : index
      %swap3A_362 = tpu.vector_load %arg8[%swap3A_359, %swap3A_360, %swap3A_361] {strides = array<i32>} : memref<2x128x128xf32, #tpu.memory_space<vmem>>, vector<1x1x16xf32>,
      %swap3A_363 = vector.shape_cast %swap3A_362 : vector<1x1x16xf32> to vector<16xf32>
      %swap3A_364 = vector.shape_cast %broadcast_in_dim3A_357 : vector<16xf32> to vector<1x1x16xf32>
      tpu.vector_store %arg8[%swap3A_359, %swap3A_360, %swap3A_361], %swap3A_364 {strides = array<i32>} : memref<2x128x128xf32, #tpu.memory_space<vmem>>, vector<1x1x16xf32>,
      %broadcast_in_dim3A_365 = arith.constant 0.000000e+00 : f32
      %broadcast_in_dim3A_366 = vector.broadcast %broadcast_in_dim3A_365 : f32 to vector<16xf32>
      %swap3A_367 = arith.constant 0 : i32
      %swap3A_368 = arith.index_cast %swap3A_367 : i32 to index
      %swap3A_369 = arith.index_cast %scan3A_356 : i32 to index
      %swap3A_370 = arith.constant 16 : index
      %swap3A_371 = tpu.vector_load %arg8[%swap3A_368, %swap3A_369, %swap3A_370] {strides = array<i32>} : memref<2x128x128xf32, #tpu.memory_space<vmem>>, vector<1x1x16xf32>,
      %swap3A_372 = vector.shape_cast %swap3A_371 : vector<1x1x16xf32> to vector<16xf32>
      %swap3A_373 = vector.shape_cast %broadcast_in_dim3A_366 : vector<16xf32> to vector<1x1x16xf32>
      tpu.vector_store %arg8[%swap3A_368, %swap3A_369, %swap3A_370], %swap3A_373 {strides = array<i32>} : memref<2x128x128xf32, #tpu.memory_space<vmem>>, vector<1x1x16xf32>,
      %broadcast_in_dim3A_374 = arith.constant 0.000000e+00 : f32
      %broadcast_in_dim3A_375 = vector.broadcast %broadcast_in_dim3A_374 : f32 to vector<16xf32>
      %swap3A_376 = arith.constant 0 : i32
      %swap3A_377 = arith.index_cast %swap3A_376 : i32 to index
      %swap3A_378 = arith.index_cast %scan3A_356 : i32 to index
      %swap3A_379 = arith.constant 32 : index
      %swap3A_380 = tpu.vector_load %arg8[%swap3A_377, %swap3A_378, %swap3A_379] {strides = array<i32>} : memref<2x128x128xf32, #tpu.memory_space<vmem>>, vector<1x1x16xf32>,
      %swap3A_381 = vector.shape_cast %swap3A_380 : vector<1x1x16xf32> to vector<16xf32>
      %swap3A_382 = vector.shape_cast %broadcast_in_dim3A_375 : vector<16xf32> to vector<1x1x16xf32>
      tpu.vector_store %arg8[%swap3A_377, %swap3A_378, %swap3A_379], %swap3A_382 {strides = array<i32>} : memref<2x128x128xf32, #tpu.memory_space<vmem>>, vector<1x1x16xf32>,
      %broadcast_in_dim3A_383 = arith.constant 0.000000e+00 : f32
      %broadcast_in_dim3A_384 = vector.broadcast %broadcast_in_dim3A_383 : f32 to vector<16xf32>
      %swap3A_385 = arith.constant 0 : i32
      %swap3A_386 = arith.index_cast %swap3A_385 : i32 to index
      %swap3A_387 = arith.index_cast %scan3A_356 : i32 to index
      %swap3A_388 = arith.constant 48 : index
      %swap3A_389 = tpu.vector_load %arg8[%swap3A_386, %swap3A_387, %swap3A_388] {strides = array<i32>} : memref<2x128x128xf32, #tpu.memory_space<vmem>>, vector<1x1x16xf32>,
      %swap3A_390 = vector.shape_cast %swap3A_389 : vector<1x1x16xf32> to vector<16xf32>
      %swap3A_391 = vector.shape_cast %broadcast_in_dim3A_384 : vector<16xf32> to vector<1x1x16xf32>
      tpu.vector_store %arg8[%swap3A_386, %swap3A_387, %swap3A_388], %swap3A_391 {strides = array<i32>} : memref<2x128x128xf32, #tpu.memory_space<vmem>>, vector<1x1x16xf32>,
      %broadcast_in_dim3A_392 = arith.constant 0.000000e+00 : f32
      %broadcast_in_dim3A_393 = vector.broadcast %broadcast_in_dim3A_392 : f32 to vector<16xf32>
      %swap3A_394 = arith.constant 0 : i32
      %swap3A_395 = arith.index_cast %swap3A_394 : i32 to index
      %swap3A_396 = arith.index_cast %scan3A_356 : i32 to index
      %swap3A_397 = arith.constant 64 : index
      %swap3A_398 = tpu.vector_load %arg8[%swap3A_395, %swap3A_396, %swap3A_397] {strides = array<i32>} : memref<2x128x128xf32, #tpu.memory_space<vmem>>, vector<1x1x16xf32>,
      %swap3A_399 = vector.shape_cast %swap3A_398 : vector<1x1x16xf32> to vector<16xf32>
      %swap3A_400 = vector.shape_cast %broadcast_in_dim3A_393 : vector<16xf32> to vector<1x1x16xf32>
      tpu.vector_store %arg8[%swap3A_395, %swap3A_396, %swap3A_397], %swap3A_400 {strides = array<i32>} : memref<2x128x128xf32, #tpu.memory_space<vmem>>, vector<1x1x16xf32>,
      %broadcast_in_dim3A_401 = arith.constant 0.000000e+00 : f32
      %broadcast_in_dim3A_402 = vector.broadcast %broadcast_in_dim3A_401 : f32 to vector<16xf32>
      %swap3A_403 = arith.constant 0 : i32
      %swap3A_404 = arith.index_cast %swap3A_403 : i32 to index
      %swap3A_405 = arith.index_cast %scan3A_356 : i32 to index
      %swap3A_406 = arith.constant 80 : index
      %swap3A_407 = tpu.vector_load %arg8[%swap3A_404, %swap3A_405, %swap3A_406] {strides = array<i32>} : memref<2x128x128xf32, #tpu.memory_space<vmem>>, vector<1x1x16xf32>,
      %swap3A_408 = vector.shape_cast %swap3A_407 : vector<1x1x16xf32> to vector<16xf32>
      %swap3A_409 = vector.shape_cast %broadcast_in_dim3A_402 : vector<16xf32> to vector<1x1x16xf32>
      tpu.vector_store %arg8[%swap3A_404, %swap3A_405, %swap3A_406], %swap3A_409 {strides = array<i32>} : memref<2x128x128xf32, #tpu.memory_space<vmem>>, vector<1x1x16xf32>,
      %broadcast_in_dim3A_410 = arith.constant 0.000000e+00 : f32
      %broadcast_in_dim3A_411 = vector.broadcast %broadcast_in_dim3A_410 : f32 to vector<16xf32>
      %swap3A_412 = arith.constant 0 : i32
      %swap3A_413 = arith.index_cast %swap3A_412 : i32 to index
      %swap3A_414 = arith.index_cast %scan3A_356 : i32 to index
      %swap3A_415 = arith.constant 96 : index
      %swap3A_416 = tpu.vector_load %arg8[%swap3A_413, %swap3A_414, %swap3A_415] {strides = array<i32>} : memref<2x128x128xf32, #tpu.memory_space<vmem>>, vector<1x1x16xf32>,
      %swap3A_417 = vector.shape_cast %swap3A_416 : vector<1x1x16xf32> to vector<16xf32>
      %swap3A_418 = vector.shape_cast %broadcast_in_dim3A_411 : vector<16xf32> to vector<1x1x16xf32>
      tpu.vector_store %arg8[%swap3A_413, %swap3A_414, %swap3A_415], %swap3A_418 {strides = array<i32>} : memref<2x128x128xf32, #tpu.memory_space<vmem>>, vector<1x1x16xf32>,
      %broadcast_in_dim3A_419 = arith.constant 0.000000e+00 : f32
      %broadcast_in_dim3A_420 = vector.broadcast %broadcast_in_dim3A_419 : f32 to vector<16xf32>
      %swap3A_421 = arith.constant 0 : i32
      %swap3A_422 = arith.index_cast %swap3A_421 : i32 to index
      %swap3A_423 = arith.index_cast %scan3A_356 : i32 to index
      %swap3A_424 = arith.constant 112 : index
      %swap3A_425 = tpu.vector_load %arg8[%swap3A_422, %swap3A_423, %swap3A_424] {strides = array<i32>} : memref<2x128x128xf32, #tpu.memory_space<vmem>>, vector<1x1x16xf32>,
      %swap3A_426 = vector.shape_cast %swap3A_425 : vector<1x1x16xf32> to vector<16xf32>
      %swap3A_427 = vector.shape_cast %broadcast_in_dim3A_420 : vector<16xf32> to vector<1x1x16xf32>
      tpu.vector_store %arg8[%swap3A_422, %swap3A_423, %swap3A_424], %swap3A_427 {strides = array<i32>} : memref<2x128x128xf32, #tpu.memory_space<vmem>>, vector<1x1x16xf32>,
    }
    %scan3A_140 = arith.constant 128 : i32
    %mul3A_141 = arith.constant 640 : i32
    %mul3A_142 = arith.muli %arg1, %mul3A_141 : i32
    %add3A_143 = arith.constant 0 : i32
    %add3A_144 = arith.addi %mul3A_142, %add3A_143 : i32
    %run_scoped3A = arith.constant 0 : i32
    "tpu.region"() ({
      %run_scoped3A_356 = tpu.sem_alloc : memref<!tpu.dma_semaphore, #tpu.memory_space<semaphore_mem>>
      %dma_start3A_357 = arith.constant 0 : i32
      %dma_start3A_358 = arith.constant 0 : i32
      %dma_start3A_359 = tpu.memref_slice %arg8[%run_scoped3A, %dma_start3A_357, %dma_start3A_358] : memref<2x128x128xf32, #tpu.memory_space<vmem>> -> memref<1x128x128xf32, #tpu.memory_space<vmem>>
      %dma_start3A_360 = tpu.memref_squeeze %dma_start3A_359 : memref<1x128x128xf32, #tpu.memory_space<vmem>> -> memref<128x128xf32, #tpu.memory_space<vmem>>
      %dma_start3A_361 = arith.constant 0 : i32
      %dma_start3A_362 = tpu.memref_slice %arg9[%add3A_144, %dma_start3A_361] : memref<10240x128xf32, #tpu.memory_space<vmem_shared>> -> memref<128x128xf32, #tpu.memory_space<vmem_shared>>
      %dma_start3A_363 = arith.constant 0 : i32
      %dma_start3A_364 = tpu.memref_slice %arg9[%add3A_144, %dma_start3A_363] : memref<10240x128xf32, #tpu.memory_space<vmem_shared>> -> memref<128x128xf32, #tpu.memory_space<vmem_shared>>
      %dma_start3A_365 = arith.constant 0 : i32
      %dma_start3A_366 = arith.constant 0 : i32
      %dma_start3A_367 = tpu.memref_slice %arg8[%run_scoped3A, %dma_start3A_365, %dma_start3A_366] : memref<2x128x128xf32, #tpu.memory_space<vmem>> -> memref<1x128x128xf32, #tpu.memory_space<vmem>>
      %dma_start3A_368 = tpu.memref_squeeze %dma_start3A_367 : memref<1x128x128xf32, #tpu.memory_space<vmem>> -> memref<128x128xf32, #tpu.memory_space<vmem>>
      tpu.enqueue_dma source(%dma_start3A_368 : memref<128x128xf32, #tpu.memory_space<vmem>>) target(%dma_start3A_364 : memref<128x128xf32, #tpu.memory_space<vmem_shared>>) target_semaphore(%run_scoped3A_356 : memref<!tpu.dma_semaphore, #tpu.memory_space<semaphore_mem>>)
      %dma_wait3A_369 = arith.constant 0 : i32
      %dma_wait3A_370 = arith.constant 0 : i32
      %dma_wait3A_371 = tpu.memref_slice %arg8[%run_scoped3A, %dma_wait3A_369, %dma_wait3A_370] : memref<2x128x128xf32, #tpu.memory_space<vmem>> -> memref<1x128x128xf32, #tpu.memory_space<vmem>>
      %dma_wait3A_372 = tpu.memref_squeeze %dma_wait3A_371 : memref<1x128x128xf32, #tpu.memory_space<vmem>> -> memref<128x128xf32, #tpu.memory_space<vmem>>
      %dma_wait3A_373 = arith.constant 0 : i32
      %dma_wait3A_374 = tpu.memref_slice %arg9[%add3A_144, %dma_wait3A_373] : memref<10240x128xf32, #tpu.memory_space<vmem_shared>> -> memref<128x128xf32, #tpu.memory_space<vmem_shared>>
      %dma_wait3A_375 = arith.constant 0 : i32
      %dma_wait3A_376 = tpu.memref_slice %arg9[%add3A_144, %dma_wait3A_375] : memref<10240x128xf32, #tpu.memory_space<vmem_shared>> -> memref<128x128xf32, #tpu.memory_space<vmem_shared>>
      %dma_wait3A_377 = arith.constant 0 : i32
      %dma_wait3A_378 = arith.constant 0 : i32
      %dma_wait3A_379 = tpu.memref_slice %arg8[%run_scoped3A, %dma_wait3A_377, %dma_wait3A_378] : memref<2x128x128xf32, #tpu.memory_space<vmem>> -> memref<1x128x128xf32, #tpu.memory_space<vmem>>
      %dma_wait3A_380 = tpu.memref_squeeze %dma_wait3A_379 : memref<1x128x128xf32, #tpu.memory_space<vmem>> -> memref<128x128xf32, #tpu.memory_space<vmem>>
      tpu.wait_dma2 semaphore(%run_scoped3A_356 : memref<!tpu.dma_semaphore, #tpu.memory_space<semaphore_mem>>) src(%dma_wait3A_380 : memref<128x128xf32, #tpu.memory_space<vmem>>) dst(%dma_wait3A_376 : memref<128x128xf32, #tpu.memory_space<vmem_shared>>)
      tpu.yield
    }) : () -> ()
    %mul3A_145 = arith.constant 640 : i32
    %mul3A_146 = arith.muli %arg1, %mul3A_145 : i32
    %add3A_147 = arith.constant 128 : i32
    %add3A_148 = arith.addi %mul3A_146, %add3A_147 : i32
    %run_scoped3A_149 = arith.constant 0 : i32
    "tpu.region"() ({
      %run_scoped3A_356 = tpu.sem_alloc : memref<!tpu.dma_semaphore, #tpu.memory_space<semaphore_mem>>
      %dma_start3A_357 = arith.constant 0 : i32
      %dma_start3A_358 = arith.constant 0 : i32
      %dma_start3A_359 = tpu.memref_slice %arg8[%run_scoped3A_149, %dma_start3A_357, %dma_start3A_358] : memref<2x128x128xf32, #tpu.memory_space<vmem>> -> memref<1x128x128xf32, #tpu.memory_space<vmem>>
      %dma_start3A_360 = tpu.memref_squeeze %dma_start3A_359 : memref<1x128x128xf32, #tpu.memory_space<vmem>> -> memref<128x128xf32, #tpu.memory_space<vmem>>
      %dma_start3A_361 = arith.constant 0 : i32
      %dma_start3A_362 = tpu.memref_slice %arg9[%add3A_148, %dma_start3A_361] : memref<10240x128xf32, #tpu.memory_space<vmem_shared>> -> memref<128x128xf32, #tpu.memory_space<vmem_shared>>
      %dma_start3A_363 = arith.constant 0 : i32
      %dma_start3A_364 = tpu.memref_slice %arg9[%add3A_148, %dma_start3A_363] : memref<10240x128xf32, #tpu.memory_space<vmem_shared>> -> memref<128x128xf32, #tpu.memory_space<vmem_shared>>
      %dma_start3A_365 = arith.constant 0 : i32
      %dma_start3A_366 = arith.constant 0 : i32
      %dma_start3A_367 = tpu.memref_slice %arg8[%run_scoped3A_149, %dma_start3A_365, %dma_start3A_366] : memref<2x128x128xf32, #tpu.memory_space<vmem>> -> memref<1x128x128xf32, #tpu.memory_space<vmem>>
      %dma_start3A_368 = tpu.memref_squeeze %dma_start3A_367 : memref<1x128x128xf32, #tpu.memory_space<vmem>> -> memref<128x128xf32, #tpu.memory_space<vmem>>
      tpu.enqueue_dma source(%dma_start3A_368 : memref<128x128xf32, #tpu.memory_space<vmem>>) target(%dma_start3A_364 : memref<128x128xf32, #tpu.memory_space<vmem_shared>>) target_semaphore(%run_scoped3A_356 : memref<!tpu.dma_semaphore, #tpu.memory_space<semaphore_mem>>)
      %dma_wait3A_369 = arith.constant 0 : i32
      %dma_wait3A_370 = arith.constant 0 : i32
      %dma_wait3A_371 = tpu.memref_slice %arg8[%run_scoped3A_149, %dma_wait3A_369, %dma_wait3A_370] : memref<2x128x128xf32, #tpu.memory_space<vmem>> -> memref<1x128x128xf32, #tpu.memory_space<vmem>>
      %dma_wait3A_372 = tpu.memref_squeeze %dma_wait3A_371 : memref<1x128x128xf32, #tpu.memory_space<vmem>> -> memref<128x128xf32, #tpu.memory_space<vmem>>
      %dma_wait3A_373 = arith.constant 0 : i32
      %dma_wait3A_374 = tpu.memref_slice %arg9[%add3A_148, %dma_wait3A_373] : memref<10240x128xf32, #tpu.memory_space<vmem_shared>> -> memref<128x128xf32, #tpu.memory_space<vmem_shared>>
      %dma_wait3A_375 = arith.constant 0 : i32
      %dma_wait3A_376 = tpu.memref_slice %arg9[%add3A_148, %dma_wait3A_375] : memref<10240x128xf32, #tpu.memory_space<vmem_shared>> -> memref<128x128xf32, #tpu.memory_space<vmem_shared>>
      %dma_wait3A_377 = arith.constant 0 : i32
      %dma_wait3A_378 = arith.constant 0 : i32
      %dma_wait3A_379 = tpu.memref_slice %arg8[%run_scoped3A_149, %dma_wait3A_377, %dma_wait3A_378] : memref<2x128x128xf32, #tpu.memory_space<vmem>> -> memref<1x128x128xf32, #tpu.memory_space<vmem>>
      %dma_wait3A_380 = tpu.memref_squeeze %dma_wait3A_379 : memref<1x128x128xf32, #tpu.memory_space<vmem>> -> memref<128x128xf32, #tpu.memory_space<vmem>>
      tpu.wait_dma2 semaphore(%run_scoped3A_356 : memref<!tpu.dma_semaphore, #tpu.memory_space<semaphore_mem>>) src(%dma_wait3A_380 : memref<128x128xf32, #tpu.memory_space<vmem>>) dst(%dma_wait3A_376 : memref<128x128xf32, #tpu.memory_space<vmem_shared>>)
      tpu.yield
    }) : () -> ()
    %mul3A_150 = arith.constant 640 : i32
    %mul3A_151 = arith.muli %arg1, %mul3A_150 : i32
    %add3A_152 = arith.constant 256 : i32
    %add3A_153 = arith.addi %mul3A_151, %add3A_152 : i32
    %run_scoped3A_154 = arith.constant 0 : i32
    "tpu.region"() ({
      %run_scoped3A_356 = tpu.sem_alloc : memref<!tpu.dma_semaphore, #tpu.memory_space<semaphore_mem>>
      %dma_start3A_357 = arith.constant 0 : i32
      %dma_start3A_358 = arith.constant 0 : i32
      %dma_start3A_359 = tpu.memref_slice %arg8[%run_scoped3A_154, %dma_start3A_357, %dma_start3A_358] : memref<2x128x128xf32, #tpu.memory_space<vmem>> -> memref<1x128x128xf32, #tpu.memory_space<vmem>>
      %dma_start3A_360 = tpu.memref_squeeze %dma_start3A_359 : memref<1x128x128xf32, #tpu.memory_space<vmem>> -> memref<128x128xf32, #tpu.memory_space<vmem>>
      %dma_start3A_361 = arith.constant 0 : i32
      %dma_start3A_362 = tpu.memref_slice %arg9[%add3A_153, %dma_start3A_361] : memref<10240x128xf32, #tpu.memory_space<vmem_shared>> -> memref<128x128xf32, #tpu.memory_space<vmem_shared>>
      %dma_start3A_363 = arith.constant 0 : i32
      %dma_start3A_364 = tpu.memref_slice %arg9[%add3A_153, %dma_start3A_363] : memref<10240x128xf32, #tpu.memory_space<vmem_shared>> -> memref<128x128xf32, #tpu.memory_space<vmem_shared>>
      %dma_start3A_365 = arith.constant 0 : i32
      %dma_start3A_366 = arith.constant 0 : i32
      %dma_start3A_367 = tpu.memref_slice %arg8[%run_scoped3A_154, %dma_start3A_365, %dma_start3A_366] : memref<2x128x128xf32, #tpu.memory_space<vmem>> -> memref<1x128x128xf32, #tpu.memory_space<vmem>>
      %dma_start3A_368 = tpu.memref_squeeze %dma_start3A_367 : memref<1x128x128xf32, #tpu.memory_space<vmem>> -> memref<128x128xf32, #tpu.memory_space<vmem>>
      tpu.enqueue_dma source(%dma_start3A_368 : memref<128x128xf32, #tpu.memory_space<vmem>>) target(%dma_start3A_364 : memref<128x128xf32, #tpu.memory_space<vmem_shared>>) target_semaphore(%run_scoped3A_356 : memref<!tpu.dma_semaphore, #tpu.memory_space<semaphore_mem>>)
      %dma_wait3A_369 = arith.constant 0 : i32
      %dma_wait3A_370 = arith.constant 0 : i32
      %dma_wait3A_371 = tpu.memref_slice %arg8[%run_scoped3A_154, %dma_wait3A_369, %dma_wait3A_370] : memref<2x128x128xf32, #tpu.memory_space<vmem>> -> memref<1x128x128xf32, #tpu.memory_space<vmem>>
      %dma_wait3A_372 = tpu.memref_squeeze %dma_wait3A_371 : memref<1x128x128xf32, #tpu.memory_space<vmem>> -> memref<128x128xf32, #tpu.memory_space<vmem>>
      %dma_wait3A_373 = arith.constant 0 : i32
      %dma_wait3A_374 = tpu.memref_slice %arg9[%add3A_153, %dma_wait3A_373] : memref<10240x128xf32, #tpu.memory_space<vmem_shared>> -> memref<128x128xf32, #tpu.memory_space<vmem_shared>>
      %dma_wait3A_375 = arith.constant 0 : i32
      %dma_wait3A_376 = tpu.memref_slice %arg9[%add3A_153, %dma_wait3A_375] : memref<10240x128xf32, #tpu.memory_space<vmem_shared>> -> memref<128x128xf32, #tpu.memory_space<vmem_shared>>
      %dma_wait3A_377 = arith.constant 0 : i32
      %dma_wait3A_378 = arith.constant 0 : i32
      %dma_wait3A_379 = tpu.memref_slice %arg8[%run_scoped3A_154, %dma_wait3A_377, %dma_wait3A_378] : memref<2x128x128xf32, #tpu.memory_space<vmem>> -> memref<1x128x128xf32, #tpu.memory_space<vmem>>
      %dma_wait3A_380 = tpu.memref_squeeze %dma_wait3A_379 : memref<1x128x128xf32, #tpu.memory_space<vmem>> -> memref<128x128xf32, #tpu.memory_space<vmem>>
      tpu.wait_dma2 semaphore(%run_scoped3A_356 : memref<!tpu.dma_semaphore, #tpu.memory_space<semaphore_mem>>) src(%dma_wait3A_380 : memref<128x128xf32, #tpu.memory_space<vmem>>) dst(%dma_wait3A_376 : memref<128x128xf32, #tpu.memory_space<vmem_shared>>)
      tpu.yield
    }) : () -> ()
    %mul3A_155 = arith.constant 640 : i32
    %mul3A_156 = arith.muli %arg1, %mul3A_155 : i32
    %add3A_157 = arith.constant 384 : i32
    %add3A_158 = arith.addi %mul3A_156, %add3A_157 : i32
    %run_scoped3A_159 = arith.constant 0 : i32
    "tpu.region"() ({
      %run_scoped3A_356 = tpu.sem_alloc : memref<!tpu.dma_semaphore, #tpu.memory_space<semaphore_mem>>
      %dma_start3A_357 = arith.constant 0 : i32
      %dma_start3A_358 = arith.constant 0 : i32
      %dma_start3A_359 = tpu.memref_slice %arg8[%run_scoped3A_159, %dma_start3A_357, %dma_start3A_358] : memref<2x128x128xf32, #tpu.memory_space<vmem>> -> memref<1x128x128xf32, #tpu.memory_space<vmem>>
      %dma_start3A_360 = tpu.memref_squeeze %dma_start3A_359 : memref<1x128x128xf32, #tpu.memory_space<vmem>> -> memref<128x128xf32, #tpu.memory_space<vmem>>
      %dma_start3A_361 = arith.constant 0 : i32
      %dma_start3A_362 = tpu.memref_slice %arg9[%add3A_158, %dma_start3A_361] : memref<10240x128xf32, #tpu.memory_space<vmem_shared>> -> memref<128x128xf32, #tpu.memory_space<vmem_shared>>
      %dma_start3A_363 = arith.constant 0 : i32
      %dma_start3A_364 = tpu.memref_slice %arg9[%add3A_158, %dma_start3A_363] : memref<10240x128xf32, #tpu.memory_space<vmem_shared>> -> memref<128x128xf32, #tpu.memory_space<vmem_shared>>
      %dma_start3A_365 = arith.constant 0 : i32
      %dma_start3A_366 = arith.constant 0 : i32
      %dma_start3A_367 = tpu.memref_slice %arg8[%run_scoped3A_159, %dma_start3A_365, %dma_start3A_366] : memref<2x128x128xf32, #tpu.memory_space<vmem>> -> memref<1x128x128xf32, #tpu.memory_space<vmem>>
      %dma_start3A_368 = tpu.memref_squeeze %dma_start3A_367 : memref<1x128x128xf32, #tpu.memory_space<vmem>> -> memref<128x128xf32, #tpu.memory_space<vmem>>
      tpu.enqueue_dma source(%dma_start3A_368 : memref<128x128xf32, #tpu.memory_space<vmem>>) target(%dma_start3A_364 : memref<128x128xf32, #tpu.memory_space<vmem_shared>>) target_semaphore(%run_scoped3A_356 : memref<!tpu.dma_semaphore, #tpu.memory_space<semaphore_mem>>)
      %dma_wait3A_369 = arith.constant 0 : i32
      %dma_wait3A_370 = arith.constant 0 : i32
      %dma_wait3A_371 = tpu.memref_slice %arg8[%run_scoped3A_159, %dma_wait3A_369, %dma_wait3A_370] : memref<2x128x128xf32, #tpu.memory_space<vmem>> -> memref<1x128x128xf32, #tpu.memory_space<vmem>>
      %dma_wait3A_372 = tpu.memref_squeeze %dma_wait3A_371 : memref<1x128x128xf32, #tpu.memory_space<vmem>> -> memref<128x128xf32, #tpu.memory_space<vmem>>
      %dma_wait3A_373 = arith.constant 0 : i32
      %dma_wait3A_374 = tpu.memref_slice %arg9[%add3A_158, %dma_wait3A_373] : memref<10240x128xf32, #tpu.memory_space<vmem_shared>> -> memref<128x128xf32, #tpu.memory_space<vmem_shared>>
      %dma_wait3A_375 = arith.constant 0 : i32
      %dma_wait3A_376 = tpu.memref_slice %arg9[%add3A_158, %dma_wait3A_375] : memref<10240x128xf32, #tpu.memory_space<vmem_shared>> -> memref<128x128xf32, #tpu.memory_space<vmem_shared>>
      %dma_wait3A_377 = arith.constant 0 : i32
      %dma_wait3A_378 = arith.constant 0 : i32
      %dma_wait3A_379 = tpu.memref_slice %arg8[%run_scoped3A_159, %dma_wait3A_377, %dma_wait3A_378] : memref<2x128x128xf32, #tpu.memory_space<vmem>> -> memref<1x128x128xf32, #tpu.memory_space<vmem>>
      %dma_wait3A_380 = tpu.memref_squeeze %dma_wait3A_379 : memref<1x128x128xf32, #tpu.memory_space<vmem>> -> memref<128x128xf32, #tpu.memory_space<vmem>>
      tpu.wait_dma2 semaphore(%run_scoped3A_356 : memref<!tpu.dma_semaphore, #tpu.memory_space<semaphore_mem>>) src(%dma_wait3A_380 : memref<128x128xf32, #tpu.memory_space<vmem>>) dst(%dma_wait3A_376 : memref<128x128xf32, #tpu.memory_space<vmem_shared>>)
      tpu.yield
    }) : () -> ()
    %mul3A_160 = arith.constant 640 : i32
    %mul3A_161 = arith.muli %arg1, %mul3A_160 : i32
    %add3A_162 = arith.constant 512 : i32
    %add3A_163 = arith.addi %mul3A_161, %add3A_162 : i32
    %run_scoped3A_164 = arith.constant 0 : i32
    "tpu.region"() ({
      %run_scoped3A_356 = tpu.sem_alloc : memref<!tpu.dma_semaphore, #tpu.memory_space<semaphore_mem>>
      %dma_start3A_357 = arith.constant 0 : i32
      %dma_start3A_358 = arith.constant 0 : i32
      %dma_start3A_359 = tpu.memref_slice %arg8[%run_scoped3A_164, %dma_start3A_357, %dma_start3A_358] : memref<2x128x128xf32, #tpu.memory_space<vmem>> -> memref<1x128x128xf32, #tpu.memory_space<vmem>>
      %dma_start3A_360 = tpu.memref_squeeze %dma_start3A_359 : memref<1x128x128xf32, #tpu.memory_space<vmem>> -> memref<128x128xf32, #tpu.memory_space<vmem>>
      %dma_start3A_361 = arith.constant 0 : i32
      %dma_start3A_362 = tpu.memref_slice %arg9[%add3A_163, %dma_start3A_361] : memref<10240x128xf32, #tpu.memory_space<vmem_shared>> -> memref<128x128xf32, #tpu.memory_space<vmem_shared>>
      %dma_start3A_363 = arith.constant 0 : i32
      %dma_start3A_364 = tpu.memref_slice %arg9[%add3A_163, %dma_start3A_363] : memref<10240x128xf32, #tpu.memory_space<vmem_shared>> -> memref<128x128xf32, #tpu.memory_space<vmem_shared>>
      %dma_start3A_365 = arith.constant 0 : i32
      %dma_start3A_366 = arith.constant 0 : i32
      %dma_start3A_367 = tpu.memref_slice %arg8[%run_scoped3A_164, %dma_start3A_365, %dma_start3A_366] : memref<2x128x128xf32, #tpu.memory_space<vmem>> -> memref<1x128x128xf32, #tpu.memory_space<vmem>>
      %dma_start3A_368 = tpu.memref_squeeze %dma_start3A_367 : memref<1x128x128xf32, #tpu.memory_space<vmem>> -> memref<128x128xf32, #tpu.memory_space<vmem>>
      tpu.enqueue_dma source(%dma_start3A_368 : memref<128x128xf32, #tpu.memory_space<vmem>>) target(%dma_start3A_364 : memref<128x128xf32, #tpu.memory_space<vmem_shared>>) target_semaphore(%run_scoped3A_356 : memref<!tpu.dma_semaphore, #tpu.memory_space<semaphore_mem>>)
      %dma_wait3A_369 = arith.constant 0 : i32
      %dma_wait3A_370 = arith.constant 0 : i32
      %dma_wait3A_371 = tpu.memref_slice %arg8[%run_scoped3A_164, %dma_wait3A_369, %dma_wait3A_370] : memref<2x128x128xf32, #tpu.memory_space<vmem>> -> memref<1x128x128xf32, #tpu.memory_space<vmem>>
      %dma_wait3A_372 = tpu.memref_squeeze %dma_wait3A_371 : memref<1x128x128xf32, #tpu.memory_space<vmem>> -> memref<128x128xf32, #tpu.memory_space<vmem>>
      %dma_wait3A_373 = arith.constant 0 : i32
      %dma_wait3A_374 = tpu.memref_slice %arg9[%add3A_163, %dma_wait3A_373] : memref<10240x128xf32, #tpu.memory_space<vmem_shared>> -> memref<128x128xf32, #tpu.memory_space<vmem_shared>>
      %dma_wait3A_375 = arith.constant 0 : i32
      %dma_wait3A_376 = tpu.memref_slice %arg9[%add3A_163, %dma_wait3A_375] : memref<10240x128xf32, #tpu.memory_space<vmem_shared>> -> memref<128x128xf32, #tpu.memory_space<vmem_shared>>
      %dma_wait3A_377 = arith.constant 0 : i32
      %dma_wait3A_378 = arith.constant 0 : i32
      %dma_wait3A_379 = tpu.memref_slice %arg8[%run_scoped3A_164, %dma_wait3A_377, %dma_wait3A_378] : memref<2x128x128xf32, #tpu.memory_space<vmem>> -> memref<1x128x128xf32, #tpu.memory_space<vmem>>
      %dma_wait3A_380 = tpu.memref_squeeze %dma_wait3A_379 : memref<1x128x128xf32, #tpu.memory_space<vmem>> -> memref<128x128xf32, #tpu.memory_space<vmem>>
      tpu.wait_dma2 semaphore(%run_scoped3A_356 : memref<!tpu.dma_semaphore, #tpu.memory_space<semaphore_mem>>) src(%dma_wait3A_380 : memref<128x128xf32, #tpu.memory_space<vmem>>) dst(%dma_wait3A_376 : memref<128x128xf32, #tpu.memory_space<vmem_shared>>)
      tpu.yield
    }) : () -> ()
    %barrier3A = arith.constant 0 : index
    tpu.barrier barrier_id(%barrier3A)
    "tpu.region"() ({
      %run_scoped3A_356 = tpu.sem_alloc : memref<!tpu.dma_semaphore, #tpu.memory_space<semaphore_mem>>
      %dma_start3A_357 = arith.constant 0 : i32
      %dma_start3A_358 = arith.constant 0 : i32
      %dma_start3A_359 = tpu.memref_slice %arg4[%add3A, %dma_start3A_357, %dma_start3A_358] : memref<32x80x128xi32, #tpu.memory_space<hbm>> -> memref<1x40x128xi32, #tpu.memory_space<hbm>>
      %dma_start3A_360 = tpu.memref_squeeze %dma_start3A_359 : memref<1x40x128xi32, #tpu.memory_space<hbm>> -> memref<40x128xi32, #tpu.memory_space<hbm>>
      %dma_start3A_361 = arith.constant 0 : i32
      %dma_start3A_362 = arith.constant 0 : i32
      %dma_start3A_363 = tpu.memref_slice %arg4[%add3A, %dma_start3A_361, %dma_start3A_362] : memref<32x80x128xi32, #tpu.memory_space<hbm>> -> memref<1x40x128xi32, #tpu.memory_space<hbm>>
      %dma_start3A_364 = tpu.memref_squeeze %dma_start3A_363 : memref<1x40x128xi32, #tpu.memory_space<hbm>> -> memref<40x128xi32, #tpu.memory_space<hbm>>
      tpu.enqueue_dma source(%dma_start3A_364 : memref<40x128xi32, #tpu.memory_space<hbm>>) target(%arg7 : memref<40x128xi32, #tpu.memory_space<vmem>>) target_semaphore(%run_scoped3A_356 : memref<!tpu.dma_semaphore, #tpu.memory_space<semaphore_mem>>)
      %dma_wait3A_365 = arith.constant 0 : i32
      %dma_wait3A_366 = arith.constant 0 : i32
      %dma_wait3A_367 = tpu.memref_slice %arg4[%add3A, %dma_wait3A_365, %dma_wait3A_366] : memref<32x80x128xi32, #tpu.memory_space<hbm>> -> memref<1x40x128xi32, #tpu.memory_space<hbm>>
      %dma_wait3A_368 = tpu.memref_squeeze %dma_wait3A_367 : memref<1x40x128xi32, #tpu.memory_space<hbm>> -> memref<40x128xi32, #tpu.memory_space<hbm>>
      %dma_wait3A_369 = arith.constant 0 : i32
      %dma_wait3A_370 = arith.constant 0 : i32
      %dma_wait3A_371 = tpu.memref_slice %arg4[%add3A, %dma_wait3A_369, %dma_wait3A_370] : memref<32x80x128xi32, #tpu.memory_space<hbm>> -> memref<1x40x128xi32, #tpu.memory_space<hbm>>
      %dma_wait3A_372 = tpu.memref_squeeze %dma_wait3A_371 : memref<1x40x128xi32, #tpu.memory_space<hbm>> -> memref<40x128xi32, #tpu.memory_space<hbm>>
      tpu.wait_dma2 semaphore(%run_scoped3A_356 : memref<!tpu.dma_semaphore, #tpu.memory_space<semaphore_mem>>) src(%dma_wait3A_372 : memref<40x128xi32, #tpu.memory_space<hbm>>) dst(%arg7 : memref<40x128xi32, #tpu.memory_space<vmem>>)
      tpu.yield
    }) : () -> ()
    %dma_start3A = arith.constant 0 : i32
    %dma_start3A_165 = arith.constant 0 : i32
    %dma_start3A_166 = arith.constant 0 : i32
    %dma_start3A_167 = tpu.memref_slice %arg8[%dma_start3A, %dma_start3A_165, %dma_start3A_166] : memref<2x128x128xf32, #tpu.memory_space<vmem>> -> memref<1x128x128xf32, #tpu.memory_space<vmem>>
    %dma_start3A_168 = tpu.memref_squeeze %dma_start3A_167 : memref<1x128x128xf32, #tpu.memory_space<vmem>> -> memref<128x128xf32, #tpu.memory_space<vmem>>
    %dma_start3A_169 = arith.constant 0 : i32
    %dma_start3A_170 = tpu.memref_slice %arg6[%dma_start3A_169] : memref<10240xi32, #tpu.memory_space<vmem>> -> memref<128xi32, #tpu.memory_space<vmem>>
    %dma_start3A_171 = arith.constant 0 : i32
    %dma_start3A_172 = arith.constant 0 : i32
    %dma_start3A_173 = tpu.memref_slice %arg2[%dma_start3A_171, %dma_start3A_172] : memref<10000x128xf32, #tpu.memory_space<hbm>> -> memref<10000x128xf32, #tpu.memory_space<hbm>>
    tpu.enqueue_indirect_dma source(%dma_start3A_173 : memref<10000x128xf32, #tpu.memory_space<hbm>>) target(%dma_start3A_168 : memref<128x128xf32, #tpu.memory_space<vmem>>) offsets(%dma_start3A_170 : memref<128xi32, #tpu.memory_space<vmem>>) semaphore(%arg10 : memref<!tpu.dma_semaphore, #tpu.memory_space<semaphore_mem>>)
    %dma_start3A_174 = arith.constant 1 : i32
    %dma_start3A_175 = arith.constant 0 : i32
    %dma_start3A_176 = arith.constant 0 : i32
    %dma_start3A_177 = tpu.memref_slice %arg8[%dma_start3A_174, %dma_start3A_175, %dma_start3A_176] : memref<2x128x128xf32, #tpu.memory_space<vmem>> -> memref<1x128x128xf32, #tpu.memory_space<vmem>>
    %dma_start3A_178 = tpu.memref_squeeze %dma_start3A_177 : memref<1x128x128xf32, #tpu.memory_space<vmem>> -> memref<128x128xf32, #tpu.memory_space<vmem>>
    %dma_start3A_179 = arith.constant 128 : i32
    %dma_start3A_180 = tpu.memref_slice %arg6[%dma_start3A_179] : memref<10240xi32, #tpu.memory_space<vmem>> -> memref<128xi32, #tpu.memory_space<vmem>>
    %dma_start3A_181 = arith.constant 0 : i32
    %dma_start3A_182 = arith.constant 0 : i32
    %dma_start3A_183 = tpu.memref_slice %arg2[%dma_start3A_181, %dma_start3A_182] : memref<10000x128xf32, #tpu.memory_space<hbm>> -> memref<10000x128xf32, #tpu.memory_space<hbm>>
    tpu.enqueue_indirect_dma source(%dma_start3A_183 : memref<10000x128xf32, #tpu.memory_space<hbm>>) target(%dma_start3A_178 : memref<128x128xf32, #tpu.memory_space<vmem>>) offsets(%dma_start3A_180 : memref<128xi32, #tpu.memory_space<vmem>>) semaphore(%arg11 : memref<!tpu.dma_semaphore, #tpu.memory_space<semaphore_mem>>)
    %scan3A_184 = arith.constant 0 : i32
    %scan3A_185 = arith.constant 0 : i32
    %scan3A_186 = arith.constant 19 : i32
    %scan3A_187 = arith.addi %scan3A_185, %scan3A_186 : i32
    %scan3A_188 = arith.constant 1 : i32
    scf.for %scan3A_356 = %scan3A_185 to %scan3A_187 step %scan3A_188  : i32 {
      %mul3A_357 = arith.constant 2 : i32
      %mul3A_358 = arith.muli %mul3A_357, %scan3A_356 : i32
      %add3A_359 = arith.constant 0 : i32
      %add3A_360 = arith.addi %mul3A_358, %add3A_359 : i32
      %add3A_361 = arith.constant 0 : i32
      %add3A_362 = arith.addi %add3A_361, %add3A_360 : i32
      %mul3A_363 = arith.constant 128 : i32
      %mul3A_364 = arith.muli %add3A_362, %mul3A_363 : i32
      %dma_wait3A_365 = arith.constant 0 : i32
      %dma_wait3A_366 = arith.constant 0 : i32
      %dma_wait3A_367 = arith.constant 0 : i32
      %dma_wait3A_368 = tpu.memref_slice %arg8[%dma_wait3A_365, %dma_wait3A_366, %dma_wait3A_367] : memref<2x128x128xf32, #tpu.memory_space<vmem>> -> memref<1x128x128xf32, #tpu.memory_space<vmem>>
      %dma_wait3A_369 = tpu.memref_squeeze %dma_wait3A_368 : memref<1x128x128xf32, #tpu.memory_space<vmem>> -> memref<128x128xf32, #tpu.memory_space<vmem>>
      %dma_wait3A_370 = tpu.memref_slice %arg6[%mul3A_364] : memref<10240xi32, #tpu.memory_space<vmem>> -> memref<128xi32, #tpu.memory_space<vmem>>
      %dma_wait3A_371 = arith.constant 0 : i32
      %dma_wait3A_372 = arith.constant 0 : i32
      %dma_wait3A_373 = tpu.memref_slice %arg2[%dma_wait3A_371, %dma_wait3A_372] : memref<10000x128xf32, #tpu.memory_space<hbm>> -> memref<10000x128xf32, #tpu.memory_space<hbm>>
      tpu.wait_indirect_dma semaphore(%arg10 : memref<!tpu.dma_semaphore, #tpu.memory_space<semaphore_mem>>) src(%dma_wait3A_373 : memref<10000x128xf32, #tpu.memory_space<hbm>>) dst(%dma_wait3A_369 : memref<128x128xf32, #tpu.memory_space<vmem>>)
      %dma_start3A_374 = arith.constant 0 : i32
      %dma_start3A_375 = arith.constant 0 : i32
      %dma_start3A_376 = arith.constant 0 : i32
      %dma_start3A_377 = tpu.memref_slice %arg8[%dma_start3A_374, %dma_start3A_375, %dma_start3A_376] : memref<2x128x128xf32, #tpu.memory_space<vmem>> -> memref<1x128x128xf32, #tpu.memory_space<vmem>>
      %dma_start3A_378 = tpu.memref_squeeze %dma_start3A_377 : memref<1x128x128xf32, #tpu.memory_space<vmem>> -> memref<128x128xf32, #tpu.memory_space<vmem>>
      %dma_start3A_379 = arith.constant 0 : i32
      %dma_start3A_380 = tpu.memref_slice %arg7[%add3A_360, %dma_start3A_379] : memref<40x128xi32, #tpu.memory_space<vmem>> -> memref<1x128xi32, #tpu.memory_space<vmem>>
      %dma_start3A_381 = tpu.memref_squeeze %dma_start3A_380 : memref<1x128xi32, #tpu.memory_space<vmem>> -> memref<128xi32, #tpu.memory_space<vmem>>
      %dma_start3A_382 = arith.constant 0 : i32
      %dma_start3A_383 = arith.constant 0 : i32
      %dma_start3A_384 = tpu.memref_slice %arg9[%dma_start3A_382, %dma_start3A_383] : memref<10240x128xf32, #tpu.memory_space<vmem_shared>> -> memref<10240x128xf32, #tpu.memory_space<vmem_shared>>
      tpu.enqueue_indirect_dma source(%dma_start3A_378 : memref<128x128xf32, #tpu.memory_space<vmem>>) target(%dma_start3A_384 : memref<10240x128xf32, #tpu.memory_space<vmem_shared>>) offsets(%dma_start3A_381 : memref<128xi32, #tpu.memory_space<vmem>>) semaphore(%arg12 : memref<!tpu.dma_semaphore, #tpu.memory_space<semaphore_mem>>) {add = true}
      %mul3A_385 = arith.constant 2 : i32
      %mul3A_386 = arith.muli %mul3A_385, %scan3A_356 : i32
      %add3A_387 = arith.constant 1 : i32
      %add3A_388 = arith.addi %mul3A_386, %add3A_387 : i32
      %add3A_389 = arith.constant 0 : i32
      %add3A_390 = arith.addi %add3A_389, %add3A_388 : i32
      %mul3A_391 = arith.constant 128 : i32
      %mul3A_392 = arith.muli %add3A_390, %mul3A_391 : i32
      %dma_wait3A_393 = arith.constant 1 : i32
      %dma_wait3A_394 = arith.constant 0 : i32
      %dma_wait3A_395 = arith.constant 0 : i32
      %dma_wait3A_396 = tpu.memref_slice %arg8[%dma_wait3A_393, %dma_wait3A_394, %dma_wait3A_395] : memref<2x128x128xf32, #tpu.memory_space<vmem>> -> memref<1x128x128xf32, #tpu.memory_space<vmem>>
      %dma_wait3A_397 = tpu.memref_squeeze %dma_wait3A_396 : memref<1x128x128xf32, #tpu.memory_space<vmem>> -> memref<128x128xf32, #tpu.memory_space<vmem>>
      %dma_wait3A_398 = tpu.memref_slice %arg6[%mul3A_392] : memref<10240xi32, #tpu.memory_space<vmem>> -> memref<128xi32, #tpu.memory_space<vmem>>
      %dma_wait3A_399 = arith.constant 0 : i32
      %dma_wait3A_400 = arith.constant 0 : i32
      %dma_wait3A_401 = tpu.memref_slice %arg2[%dma_wait3A_399, %dma_wait3A_400] : memref<10000x128xf32, #tpu.memory_space<hbm>> -> memref<10000x128xf32, #tpu.memory_space<hbm>>
      tpu.wait_indirect_dma semaphore(%arg11 : memref<!tpu.dma_semaphore, #tpu.memory_space<semaphore_mem>>) src(%dma_wait3A_401 : memref<10000x128xf32, #tpu.memory_space<hbm>>) dst(%dma_wait3A_397 : memref<128x128xf32, #tpu.memory_space<vmem>>)
      %dma_start3A_402 = arith.constant 1 : i32
      %dma_start3A_403 = arith.constant 0 : i32
      %dma_start3A_404 = arith.constant 0 : i32
      %dma_start3A_405 = tpu.memref_slice %arg8[%dma_start3A_402, %dma_start3A_403, %dma_start3A_404] : memref<2x128x128xf32, #tpu.memory_space<vmem>> -> memref<1x128x128xf32, #tpu.memory_space<vmem>>
      %dma_start3A_406 = tpu.memref_squeeze %dma_start3A_405 : memref<1x128x128xf32, #tpu.memory_space<vmem>> -> memref<128x128xf32, #tpu.memory_space<vmem>>
      %dma_start3A_407 = arith.constant 0 : i32
      %dma_start3A_408 = tpu.memref_slice %arg7[%add3A_388, %dma_start3A_407] : memref<40x128xi32, #tpu.memory_space<vmem>> -> memref<1x128xi32, #tpu.memory_space<vmem>>
      %dma_start3A_409 = tpu.memref_squeeze %dma_start3A_408 : memref<1x128xi32, #tpu.memory_space<vmem>> -> memref<128xi32, #tpu.memory_space<vmem>>
      %dma_start3A_410 = arith.constant 0 : i32
      %dma_start3A_411 = arith.constant 0 : i32
      %dma_start3A_412 = tpu.memref_slice %arg9[%dma_start3A_410, %dma_start3A_411] : memref<10240x128xf32, #tpu.memory_space<vmem_shared>> -> memref<10240x128xf32, #tpu.memory_space<vmem_shared>>
      tpu.enqueue_indirect_dma source(%dma_start3A_406 : memref<128x128xf32, #tpu.memory_space<vmem>>) target(%dma_start3A_412 : memref<10240x128xf32, #tpu.memory_space<vmem_shared>>) offsets(%dma_start3A_409 : memref<128xi32, #tpu.memory_space<vmem>>) semaphore(%arg13 : memref<!tpu.dma_semaphore, #tpu.memory_space<semaphore_mem>>) {add = true}
      %mul3A_413 = arith.constant 2 : i32
      %mul3A_414 = arith.muli %mul3A_413, %scan3A_356 : i32
      %add3A_415 = arith.constant 0 : i32
      %add3A_416 = arith.addi %mul3A_414, %add3A_415 : i32
      %dma_wait3A_417 = arith.constant 0 : i32
      %dma_wait3A_418 = arith.constant 0 : i32
      %dma_wait3A_419 = arith.constant 0 : i32
      %dma_wait3A_420 = tpu.memref_slice %arg8[%dma_wait3A_417, %dma_wait3A_418, %dma_wait3A_419] : memref<2x128x128xf32, #tpu.memory_space<vmem>> -> memref<1x128x128xf32, #tpu.memory_space<vmem>>
      %dma_wait3A_421 = tpu.memref_squeeze %dma_wait3A_420 : memref<1x128x128xf32, #tpu.memory_space<vmem>> -> memref<128x128xf32, #tpu.memory_space<vmem>>
      %dma_wait3A_422 = arith.constant 0 : i32
      %dma_wait3A_423 = tpu.memref_slice %arg7[%add3A_416, %dma_wait3A_422] : memref<40x128xi32, #tpu.memory_space<vmem>> -> memref<1x128xi32, #tpu.memory_space<vmem>>
      %dma_wait3A_424 = tpu.memref_squeeze %dma_wait3A_423 : memref<1x128xi32, #tpu.memory_space<vmem>> -> memref<128xi32, #tpu.memory_space<vmem>>
      %dma_wait3A_425 = arith.constant 0 : i32
      %dma_wait3A_426 = arith.constant 0 : i32
      %dma_wait3A_427 = tpu.memref_slice %arg9[%dma_wait3A_425, %dma_wait3A_426] : memref<10240x128xf32, #tpu.memory_space<vmem_shared>> -> memref<10240x128xf32, #tpu.memory_space<vmem_shared>>
      tpu.wait_indirect_dma semaphore(%arg12 : memref<!tpu.dma_semaphore, #tpu.memory_space<semaphore_mem>>) src(%dma_wait3A_421 : memref<128x128xf32, #tpu.memory_space<vmem>>) dst(%dma_wait3A_427 : memref<10240x128xf32, #tpu.memory_space<vmem_shared>>)
      %add3A_428 = arith.constant 0 : i32
      %add3A_429 = arith.addi %add3A_428, %add3A_416 : i32
      %add3A_430 = arith.constant 2 : i32
      %add3A_431 = arith.addi %add3A_429, %add3A_430 : i32
      %mul3A_432 = arith.constant 128 : i32
      %mul3A_433 = arith.muli %add3A_431, %mul3A_432 : i32
      %dma_start3A_434 = arith.constant 0 : i32
      %dma_start3A_435 = arith.constant 0 : i32
      %dma_start3A_436 = arith.constant 0 : i32
      %dma_start3A_437 = tpu.memref_slice %arg8[%dma_start3A_434, %dma_start3A_435, %dma_start3A_436] : memref<2x128x128xf32, #tpu.memory_space<vmem>> -> memref<1x128x128xf32, #tpu.memory_space<vmem>>
      %dma_start3A_438 = tpu.memref_squeeze %dma_start3A_437 : memref<1x128x128xf32, #tpu.memory_space<vmem>> -> memref<128x128xf32, #tpu.memory_space<vmem>>
      %dma_start3A_439 = tpu.memref_slice %arg6[%mul3A_433] : memref<10240xi32, #tpu.memory_space<vmem>> -> memref<128xi32, #tpu.memory_space<vmem>>
      %dma_start3A_440 = arith.constant 0 : i32
      %dma_start3A_441 = arith.constant 0 : i32
      %dma_start3A_442 = tpu.memref_slice %arg2[%dma_start3A_440, %dma_start3A_441] : memref<10000x128xf32, #tpu.memory_space<hbm>> -> memref<10000x128xf32, #tpu.memory_space<hbm>>
      tpu.enqueue_indirect_dma source(%dma_start3A_442 : memref<10000x128xf32, #tpu.memory_space<hbm>>) target(%dma_start3A_438 : memref<128x128xf32, #tpu.memory_space<vmem>>) offsets(%dma_start3A_439 : memref<128xi32, #tpu.memory_space<vmem>>) semaphore(%arg10 : memref<!tpu.dma_semaphore, #tpu.memory_space<semaphore_mem>>)
      %mul3A_443 = arith.constant 2 : i32
      %mul3A_444 = arith.muli %mul3A_443, %scan3A_356 : i32
      %add3A_445 = arith.constant 1 : i32
      %add3A_446 = arith.addi %mul3A_444, %add3A_445 : i32
      %dma_wait3A_447 = arith.constant 1 : i32
      %dma_wait3A_448 = arith.constant 0 : i32
      %dma_wait3A_449 = arith.constant 0 : i32
      %dma_wait3A_450 = tpu.memref_slice %arg8[%dma_wait3A_447, %dma_wait3A_448, %dma_wait3A_449] : memref<2x128x128xf32, #tpu.memory_space<vmem>> -> memref<1x128x128xf32, #tpu.memory_space<vmem>>
      %dma_wait3A_451 = tpu.memref_squeeze %dma_wait3A_450 : memref<1x128x128xf32, #tpu.memory_space<vmem>> -> memref<128x128xf32, #tpu.memory_space<vmem>>
      %dma_wait3A_452 = arith.constant 0 : i32
      %dma_wait3A_453 = tpu.memref_slice %arg7[%add3A_446, %dma_wait3A_452] : memref<40x128xi32, #tpu.memory_space<vmem>> -> memref<1x128xi32, #tpu.memory_space<vmem>>
      %dma_wait3A_454 = tpu.memref_squeeze %dma_wait3A_453 : memref<1x128xi32, #tpu.memory_space<vmem>> -> memref<128xi32, #tpu.memory_space<vmem>>
      %dma_wait3A_455 = arith.constant 0 : i32
      %dma_wait3A_456 = arith.constant 0 : i32
      %dma_wait3A_457 = tpu.memref_slice %arg9[%dma_wait3A_455, %dma_wait3A_456] : memref<10240x128xf32, #tpu.memory_space<vmem_shared>> -> memref<10240x128xf32, #tpu.memory_space<vmem_shared>>
      tpu.wait_indirect_dma semaphore(%arg13 : memref<!tpu.dma_semaphore, #tpu.memory_space<semaphore_mem>>) src(%dma_wait3A_451 : memref<128x128xf32, #tpu.memory_space<vmem>>) dst(%dma_wait3A_457 : memref<10240x128xf32, #tpu.memory_space<vmem_shared>>)
      %add3A_458 = arith.constant 0 : i32
      %add3A_459 = arith.addi %add3A_458, %add3A_446 : i32
      %add3A_460 = arith.constant 2 : i32
      %add3A_461 = arith.addi %add3A_459, %add3A_460 : i32
      %mul3A_462 = arith.constant 128 : i32
      %mul3A_463 = arith.muli %add3A_461, %mul3A_462 : i32
      %dma_start3A_464 = arith.constant 1 : i32
      %dma_start3A_465 = arith.constant 0 : i32
      %dma_start3A_466 = arith.constant 0 : i32
      %dma_start3A_467 = tpu.memref_slice %arg8[%dma_start3A_464, %dma_start3A_465, %dma_start3A_466] : memref<2x128x128xf32, #tpu.memory_space<vmem>> -> memref<1x128x128xf32, #tpu.memory_space<vmem>>
      %dma_start3A_468 = tpu.memref_squeeze %dma_start3A_467 : memref<1x128x128xf32, #tpu.memory_space<vmem>> -> memref<128x128xf32, #tpu.memory_space<vmem>>
      %dma_start3A_469 = tpu.memref_slice %arg6[%mul3A_463] : memref<10240xi32, #tpu.memory_space<vmem>> -> memref<128xi32, #tpu.memory_space<vmem>>
      %dma_start3A_470 = arith.constant 0 : i32
      %dma_start3A_471 = arith.constant 0 : i32
      %dma_start3A_472 = tpu.memref_slice %arg2[%dma_start3A_470, %dma_start3A_471] : memref<10000x128xf32, #tpu.memory_space<hbm>> -> memref<10000x128xf32, #tpu.memory_space<hbm>>
      tpu.enqueue_indirect_dma source(%dma_start3A_472 : memref<10000x128xf32, #tpu.memory_space<hbm>>) target(%dma_start3A_468 : memref<128x128xf32, #tpu.memory_space<vmem>>) offsets(%dma_start3A_469 : memref<128xi32, #tpu.memory_space<vmem>>) semaphore(%arg11 : memref<!tpu.dma_semaphore, #tpu.memory_space<semaphore_mem>>)
    }
    %scan3A_189 = arith.constant 19 : i32
    %dma_wait3A = arith.constant 0 : i32
    %dma_wait3A_190 = arith.constant 0 : i32
    %dma_wait3A_191 = arith.constant 0 : i32
    %dma_wait3A_192 = tpu.memref_slice %arg8[%dma_wait3A, %dma_wait3A_190, %dma_wait3A_191] : memref<2x128x128xf32, #tpu.memory_space<vmem>> -> memref<1x128x128xf32, #tpu.memory_space<vmem>>
    %dma_wait3A_193 = tpu.memref_squeeze %dma_wait3A_192 : memref<1x128x128xf32, #tpu.memory_space<vmem>> -> memref<128x128xf32, #tpu.memory_space<vmem>>
    %dma_wait3A_194 = arith.constant 4864 : i32
    %dma_wait3A_195 = tpu.memref_slice %arg6[%dma_wait3A_194] : memref<10240xi32, #tpu.memory_space<vmem>> -> memref<128xi32, #tpu.memory_space<vmem>>
    %dma_wait3A_196 = arith.constant 0 : i32
    %dma_wait3A_197 = arith.constant 0 : i32
    %dma_wait3A_198 = tpu.memref_slice %arg2[%dma_wait3A_196, %dma_wait3A_197] : memref<10000x128xf32, #tpu.memory_space<hbm>> -> memref<10000x128xf32, #tpu.memory_space<hbm>>
    tpu.wait_indirect_dma semaphore(%arg10 : memref<!tpu.dma_semaphore, #tpu.memory_space<semaphore_mem>>) src(%dma_wait3A_198 : memref<10000x128xf32, #tpu.memory_space<hbm>>) dst(%dma_wait3A_193 : memref<128x128xf32, #tpu.memory_space<vmem>>)
    %dma_start3A_199 = arith.constant 0 : i32
    %dma_start3A_200 = arith.constant 38 : i32
    %dma_start3A_201 = arith.constant 0 : i32
    %dma_start3A_202 = arith.constant 0 : i32
    %dma_start3A_203 = tpu.memref_slice %arg8[%dma_start3A_199, %dma_start3A_201, %dma_start3A_202] : memref<2x128x128xf32, #tpu.memory_space<vmem>> -> memref<1x128x128xf32, #tpu.memory_space<vmem>>
    %dma_start3A_204 = tpu.memref_squeeze %dma_start3A_203 : memref<1x128x128xf32, #tpu.memory_space<vmem>> -> memref<128x128xf32, #tpu.memory_space<vmem>>
    %dma_start3A_205 = arith.constant 0 : i32
    %dma_start3A_206 = tpu.memref_slice %arg7[%dma_start3A_200, %dma_start3A_205] : memref<40x128xi32, #tpu.memory_space<vmem>> -> memref<1x128xi32, #tpu.memory_space<vmem>>
    %dma_start3A_207 = tpu.memref_squeeze %dma_start3A_206 : memref<1x128xi32, #tpu.memory_space<vmem>> -> memref<128xi32, #tpu.memory_space<vmem>>
    %dma_start3A_208 = arith.constant 0 : i32
    %dma_start3A_209 = arith.constant 0 : i32
    %dma_start3A_210 = tpu.memref_slice %arg9[%dma_start3A_208, %dma_start3A_209] : memref<10240x128xf32, #tpu.memory_space<vmem_shared>> -> memref<10240x128xf32, #tpu.memory_space<vmem_shared>>
    tpu.enqueue_indirect_dma source(%dma_start3A_204 : memref<128x128xf32, #tpu.memory_space<vmem>>) target(%dma_start3A_210 : memref<10240x128xf32, #tpu.memory_space<vmem_shared>>) offsets(%dma_start3A_207 : memref<128xi32, #tpu.memory_space<vmem>>) semaphore(%arg12 : memref<!tpu.dma_semaphore, #tpu.memory_space<semaphore_mem>>) {add = true}
    %dma_wait3A_211 = arith.constant 1 : i32
    %dma_wait3A_212 = arith.constant 0 : i32
    %dma_wait3A_213 = arith.constant 0 : i32
    %dma_wait3A_214 = tpu.memref_slice %arg8[%dma_wait3A_211, %dma_wait3A_212, %dma_wait3A_213] : memref<2x128x128xf32, #tpu.memory_space<vmem>> -> memref<1x128x128xf32, #tpu.memory_space<vmem>>
    %dma_wait3A_215 = tpu.memref_squeeze %dma_wait3A_214 : memref<1x128x128xf32, #tpu.memory_space<vmem>> -> memref<128x128xf32, #tpu.memory_space<vmem>>
    %dma_wait3A_216 = arith.constant 4992 : i32
    %dma_wait3A_217 = tpu.memref_slice %arg6[%dma_wait3A_216] : memref<10240xi32, #tpu.memory_space<vmem>> -> memref<128xi32, #tpu.memory_space<vmem>>
    %dma_wait3A_218 = arith.constant 0 : i32
    %dma_wait3A_219 = arith.constant 0 : i32
    %dma_wait3A_220 = tpu.memref_slice %arg2[%dma_wait3A_218, %dma_wait3A_219] : memref<10000x128xf32, #tpu.memory_space<hbm>> -> memref<10000x128xf32, #tpu.memory_space<hbm>>
    tpu.wait_indirect_dma semaphore(%arg11 : memref<!tpu.dma_semaphore, #tpu.memory_space<semaphore_mem>>) src(%dma_wait3A_220 : memref<10000x128xf32, #tpu.memory_space<hbm>>) dst(%dma_wait3A_215 : memref<128x128xf32, #tpu.memory_space<vmem>>)
    %dma_start3A_221 = arith.constant 1 : i32
    %dma_start3A_222 = arith.constant 39 : i32
    %dma_start3A_223 = arith.constant 0 : i32
    %dma_start3A_224 = arith.constant 0 : i32
    %dma_start3A_225 = tpu.memref_slice %arg8[%dma_start3A_221, %dma_start3A_223, %dma_start3A_224] : memref<2x128x128xf32, #tpu.memory_space<vmem>> -> memref<1x128x128xf32, #tpu.memory_space<vmem>>
    %dma_start3A_226 = tpu.memref_squeeze %dma_start3A_225 : memref<1x128x128xf32, #tpu.memory_space<vmem>> -> memref<128x128xf32, #tpu.memory_space<vmem>>
    %dma_start3A_227 = arith.constant 0 : i32
    %dma_start3A_228 = tpu.memref_slice %arg7[%dma_start3A_222, %dma_start3A_227] : memref<40x128xi32, #tpu.memory_space<vmem>> -> memref<1x128xi32, #tpu.memory_space<vmem>>
    %dma_start3A_229 = tpu.memref_squeeze %dma_start3A_228 : memref<1x128xi32, #tpu.memory_space<vmem>> -> memref<128xi32, #tpu.memory_space<vmem>>
    %dma_start3A_230 = arith.constant 0 : i32
    %dma_start3A_231 = arith.constant 0 : i32
    %dma_start3A_232 = tpu.memref_slice %arg9[%dma_start3A_230, %dma_start3A_231] : memref<10240x128xf32, #tpu.memory_space<vmem_shared>> -> memref<10240x128xf32, #tpu.memory_space<vmem_shared>>
    tpu.enqueue_indirect_dma source(%dma_start3A_226 : memref<128x128xf32, #tpu.memory_space<vmem>>) target(%dma_start3A_232 : memref<10240x128xf32, #tpu.memory_space<vmem_shared>>) offsets(%dma_start3A_229 : memref<128xi32, #tpu.memory_space<vmem>>) semaphore(%arg13 : memref<!tpu.dma_semaphore, #tpu.memory_space<semaphore_mem>>) {add = true}
    %dma_wait3A_233 = arith.constant 0 : i32
    %dma_wait3A_234 = arith.constant 38 : i32
    %dma_wait3A_235 = arith.constant 0 : i32
    %dma_wait3A_236 = arith.constant 0 : i32
    %dma_wait3A_237 = tpu.memref_slice %arg8[%dma_wait3A_233, %dma_wait3A_235, %dma_wait3A_236] : memref<2x128x128xf32, #tpu.memory_space<vmem>> -> memref<1x128x128xf32, #tpu.memory_space<vmem>>
    %dma_wait3A_238 = tpu.memref_squeeze %dma_wait3A_237 : memref<1x128x128xf32, #tpu.memory_space<vmem>> -> memref<128x128xf32, #tpu.memory_space<vmem>>
    %dma_wait3A_239 = arith.constant 0 : i32
    %dma_wait3A_240 = tpu.memref_slice %arg7[%dma_wait3A_234, %dma_wait3A_239] : memref<40x128xi32, #tpu.memory_space<vmem>> -> memref<1x128xi32, #tpu.memory_space<vmem>>
    %dma_wait3A_241 = tpu.memref_squeeze %dma_wait3A_240 : memref<1x128xi32, #tpu.memory_space<vmem>> -> memref<128xi32, #tpu.memory_space<vmem>>
    %dma_wait3A_242 = arith.constant 0 : i32
    %dma_wait3A_243 = arith.constant 0 : i32
    %dma_wait3A_244 = tpu.memref_slice %arg9[%dma_wait3A_242, %dma_wait3A_243] : memref<10240x128xf32, #tpu.memory_space<vmem_shared>> -> memref<10240x128xf32, #tpu.memory_space<vmem_shared>>
    tpu.wait_indirect_dma semaphore(%arg12 : memref<!tpu.dma_semaphore, #tpu.memory_space<semaphore_mem>>) src(%dma_wait3A_238 : memref<128x128xf32, #tpu.memory_space<vmem>>) dst(%dma_wait3A_244 : memref<10240x128xf32, #tpu.memory_space<vmem_shared>>)
    %dma_wait3A_245 = arith.constant 1 : i32
    %dma_wait3A_246 = arith.constant 39 : i32
    %dma_wait3A_247 = arith.constant 0 : i32
    %dma_wait3A_248 = arith.constant 0 : i32
    %dma_wait3A_249 = tpu.memref_slice %arg8[%dma_wait3A_245, %dma_wait3A_247, %dma_wait3A_248] : memref<2x128x128xf32, #tpu.memory_space<vmem>> -> memref<1x128x128xf32, #tpu.memory_space<vmem>>
    %dma_wait3A_250 = tpu.memref_squeeze %dma_wait3A_249 : memref<1x128x128xf32, #tpu.memory_space<vmem>> -> memref<128x128xf32, #tpu.memory_space<vmem>>
    %dma_wait3A_251 = arith.constant 0 : i32
    %dma_wait3A_252 = tpu.memref_slice %arg7[%dma_wait3A_246, %dma_wait3A_251] : memref<40x128xi32, #tpu.memory_space<vmem>> -> memref<1x128xi32, #tpu.memory_space<vmem>>
    %dma_wait3A_253 = tpu.memref_squeeze %dma_wait3A_252 : memref<1x128xi32, #tpu.memory_space<vmem>> -> memref<128xi32, #tpu.memory_space<vmem>>
    %dma_wait3A_254 = arith.constant 0 : i32
    %dma_wait3A_255 = arith.constant 0 : i32
    %dma_wait3A_256 = tpu.memref_slice %arg9[%dma_wait3A_254, %dma_wait3A_255] : memref<10240x128xf32, #tpu.memory_space<vmem_shared>> -> memref<10240x128xf32, #tpu.memory_space<vmem_shared>>
    tpu.wait_indirect_dma semaphore(%arg13 : memref<!tpu.dma_semaphore, #tpu.memory_space<semaphore_mem>>) src(%dma_wait3A_250 : memref<128x128xf32, #tpu.memory_space<vmem>>) dst(%dma_wait3A_256 : memref<10240x128xf32, #tpu.memory_space<vmem_shared>>)
    "tpu.region"() ({
      %run_scoped3A_356 = tpu.sem_alloc : memref<!tpu.dma_semaphore, #tpu.memory_space<semaphore_mem>>
      %dma_start3A_357 = arith.constant 40 : i32
      %dma_start3A_358 = arith.constant 0 : i32
      %dma_start3A_359 = tpu.memref_slice %arg4[%add3A, %dma_start3A_357, %dma_start3A_358] : memref<32x80x128xi32, #tpu.memory_space<hbm>> -> memref<1x40x128xi32, #tpu.memory_space<hbm>>
      %dma_start3A_360 = tpu.memref_squeeze %dma_start3A_359 : memref<1x40x128xi32, #tpu.memory_space<hbm>> -> memref<40x128xi32, #tpu.memory_space<hbm>>
      %dma_start3A_361 = arith.constant 40 : i32
      %dma_start3A_362 = arith.constant 0 : i32
      %dma_start3A_363 = tpu.memref_slice %arg4[%add3A, %dma_start3A_361, %dma_start3A_362] : memref<32x80x128xi32, #tpu.memory_space<hbm>> -> memref<1x40x128xi32, #tpu.memory_space<hbm>>
      %dma_start3A_364 = tpu.memref_squeeze %dma_start3A_363 : memref<1x40x128xi32, #tpu.memory_space<hbm>> -> memref<40x128xi32, #tpu.memory_space<hbm>>
      tpu.enqueue_dma source(%dma_start3A_364 : memref<40x128xi32, #tpu.memory_space<hbm>>) target(%arg7 : memref<40x128xi32, #tpu.memory_space<vmem>>) target_semaphore(%run_scoped3A_356 : memref<!tpu.dma_semaphore, #tpu.memory_space<semaphore_mem>>)
      %dma_wait3A_365 = arith.constant 40 : i32
      %dma_wait3A_366 = arith.constant 0 : i32
      %dma_wait3A_367 = tpu.memref_slice %arg4[%add3A, %dma_wait3A_365, %dma_wait3A_366] : memref<32x80x128xi32, #tpu.memory_space<hbm>> -> memref<1x40x128xi32, #tpu.memory_space<hbm>>
      %dma_wait3A_368 = tpu.memref_squeeze %dma_wait3A_367 : memref<1x40x128xi32, #tpu.memory_space<hbm>> -> memref<40x128xi32, #tpu.memory_space<hbm>>
      %dma_wait3A_369 = arith.constant 40 : i32
      %dma_wait3A_370 = arith.constant 0 : i32
      %dma_wait3A_371 = tpu.memref_slice %arg4[%add3A, %dma_wait3A_369, %dma_wait3A_370] : memref<32x80x128xi32, #tpu.memory_space<hbm>> -> memref<1x40x128xi32, #tpu.memory_space<hbm>>
      %dma_wait3A_372 = tpu.memref_squeeze %dma_wait3A_371 : memref<1x40x128xi32, #tpu.memory_space<hbm>> -> memref<40x128xi32, #tpu.memory_space<hbm>>
      tpu.wait_dma2 semaphore(%run_scoped3A_356 : memref<!tpu.dma_semaphore, #tpu.memory_space<semaphore_mem>>) src(%dma_wait3A_372 : memref<40x128xi32, #tpu.memory_space<hbm>>) dst(%arg7 : memref<40x128xi32, #tpu.memory_space<vmem>>)
      tpu.yield
    }) : () -> ()
    %dma_start3A_257 = arith.constant 0 : i32
    %dma_start3A_258 = arith.constant 0 : i32
    %dma_start3A_259 = arith.constant 0 : i32
    %dma_start3A_260 = tpu.memref_slice %arg8[%dma_start3A_257, %dma_start3A_258, %dma_start3A_259] : memref<2x128x128xf32, #tpu.memory_space<vmem>> -> memref<1x128x128xf32, #tpu.memory_space<vmem>>
    %dma_start3A_261 = tpu.memref_squeeze %dma_start3A_260 : memref<1x128x128xf32, #tpu.memory_space<vmem>> -> memref<128x128xf32, #tpu.memory_space<vmem>>
    %dma_start3A_262 = arith.constant 5120 : i32
    %dma_start3A_263 = tpu.memref_slice %arg6[%dma_start3A_262] : memref<10240xi32, #tpu.memory_space<vmem>> -> memref<128xi32, #tpu.memory_space<vmem>>
    %dma_start3A_264 = arith.constant 0 : i32
    %dma_start3A_265 = arith.constant 0 : i32
    %dma_start3A_266 = tpu.memref_slice %arg2[%dma_start3A_264, %dma_start3A_265] : memref<10000x128xf32, #tpu.memory_space<hbm>> -> memref<10000x128xf32, #tpu.memory_space<hbm>>
    tpu.enqueue_indirect_dma source(%dma_start3A_266 : memref<10000x128xf32, #tpu.memory_space<hbm>>) target(%dma_start3A_261 : memref<128x128xf32, #tpu.memory_space<vmem>>) offsets(%dma_start3A_263 : memref<128xi32, #tpu.memory_space<vmem>>) semaphore(%arg10 : memref<!tpu.dma_semaphore, #tpu.memory_space<semaphore_mem>>)
    %dma_start3A_267 = arith.constant 1 : i32
    %dma_start3A_268 = arith.constant 0 : i32
    %dma_start3A_269 = arith.constant 0 : i32
    %dma_start3A_270 = tpu.memref_slice %arg8[%dma_start3A_267, %dma_start3A_268, %dma_start3A_269] : memref<2x128x128xf32, #tpu.memory_space<vmem>> -> memref<1x128x128xf32, #tpu.memory_space<vmem>>
    %dma_start3A_271 = tpu.memref_squeeze %dma_start3A_270 : memref<1x128x128xf32, #tpu.memory_space<vmem>> -> memref<128x128xf32, #tpu.memory_space<vmem>>
    %dma_start3A_272 = arith.constant 5248 : i32
    %dma_start3A_273 = tpu.memref_slice %arg6[%dma_start3A_272] : memref<10240xi32, #tpu.memory_space<vmem>> -> memref<128xi32, #tpu.memory_space<vmem>>
    %dma_start3A_274 = arith.constant 0 : i32
    %dma_start3A_275 = arith.constant 0 : i32
    %dma_start3A_276 = tpu.memref_slice %arg2[%dma_start3A_274, %dma_start3A_275] : memref<10000x128xf32, #tpu.memory_space<hbm>> -> memref<10000x128xf32, #tpu.memory_space<hbm>>
    tpu.enqueue_indirect_dma source(%dma_start3A_276 : memref<10000x128xf32, #tpu.memory_space<hbm>>) target(%dma_start3A_271 : memref<128x128xf32, #tpu.memory_space<vmem>>) offsets(%dma_start3A_273 : memref<128xi32, #tpu.memory_space<vmem>>) semaphore(%arg11 : memref<!tpu.dma_semaphore, #tpu.memory_space<semaphore_mem>>)
    %scan3A_277 = arith.constant 0 : i32
    %scan3A_278 = arith.constant 0 : i32
    %scan3A_279 = arith.constant 19 : i32
    %scan3A_280 = arith.addi %scan3A_278, %scan3A_279 : i32
    %scan3A_281 = arith.constant 1 : i32
    scf.for %scan3A_356 = %scan3A_278 to %scan3A_280 step %scan3A_281  : i32 {
      %mul3A_357 = arith.constant 2 : i32
      %mul3A_358 = arith.muli %mul3A_357, %scan3A_356 : i32
      %add3A_359 = arith.constant 0 : i32
      %add3A_360 = arith.addi %mul3A_358, %add3A_359 : i32
      %add3A_361 = arith.constant 40 : i32
      %add3A_362 = arith.addi %add3A_361, %add3A_360 : i32
      %mul3A_363 = arith.constant 128 : i32
      %mul3A_364 = arith.muli %add3A_362, %mul3A_363 : i32
      %dma_wait3A_365 = arith.constant 0 : i32
      %dma_wait3A_366 = arith.constant 0 : i32
      %dma_wait3A_367 = arith.constant 0 : i32
      %dma_wait3A_368 = tpu.memref_slice %arg8[%dma_wait3A_365, %dma_wait3A_366, %dma_wait3A_367] : memref<2x128x128xf32, #tpu.memory_space<vmem>> -> memref<1x128x128xf32, #tpu.memory_space<vmem>>
      %dma_wait3A_369 = tpu.memref_squeeze %dma_wait3A_368 : memref<1x128x128xf32, #tpu.memory_space<vmem>> -> memref<128x128xf32, #tpu.memory_space<vmem>>
      %dma_wait3A_370 = tpu.memref_slice %arg6[%mul3A_364] : memref<10240xi32, #tpu.memory_space<vmem>> -> memref<128xi32, #tpu.memory_space<vmem>>
      %dma_wait3A_371 = arith.constant 0 : i32
      %dma_wait3A_372 = arith.constant 0 : i32
      %dma_wait3A_373 = tpu.memref_slice %arg2[%dma_wait3A_371, %dma_wait3A_372] : memref<10000x128xf32, #tpu.memory_space<hbm>> -> memref<10000x128xf32, #tpu.memory_space<hbm>>
      tpu.wait_indirect_dma semaphore(%arg10 : memref<!tpu.dma_semaphore, #tpu.memory_space<semaphore_mem>>) src(%dma_wait3A_373 : memref<10000x128xf32, #tpu.memory_space<hbm>>) dst(%dma_wait3A_369 : memref<128x128xf32, #tpu.memory_space<vmem>>)
      %dma_start3A_374 = arith.constant 0 : i32
      %dma_start3A_375 = arith.constant 0 : i32
      %dma_start3A_376 = arith.constant 0 : i32
      %dma_start3A_377 = tpu.memref_slice %arg8[%dma_start3A_374, %dma_start3A_375, %dma_start3A_376] : memref<2x128x128xf32, #tpu.memory_space<vmem>> -> memref<1x128x128xf32, #tpu.memory_space<vmem>>
      %dma_start3A_378 = tpu.memref_squeeze %dma_start3A_377 : memref<1x128x128xf32, #tpu.memory_space<vmem>> -> memref<128x128xf32, #tpu.memory_space<vmem>>
      %dma_start3A_379 = arith.constant 0 : i32
      %dma_start3A_380 = tpu.memref_slice %arg7[%add3A_360, %dma_start3A_379] : memref<40x128xi32, #tpu.memory_space<vmem>> -> memref<1x128xi32, #tpu.memory_space<vmem>>
      %dma_start3A_381 = tpu.memref_squeeze %dma_start3A_380 : memref<1x128xi32, #tpu.memory_space<vmem>> -> memref<128xi32, #tpu.memory_space<vmem>>
      %dma_start3A_382 = arith.constant 0 : i32
      %dma_start3A_383 = arith.constant 0 : i32
      %dma_start3A_384 = tpu.memref_slice %arg9[%dma_start3A_382, %dma_start3A_383] : memref<10240x128xf32, #tpu.memory_space<vmem_shared>> -> memref<10240x128xf32, #tpu.memory_space<vmem_shared>>
      tpu.enqueue_indirect_dma source(%dma_start3A_378 : memref<128x128xf32, #tpu.memory_space<vmem>>) target(%dma_start3A_384 : memref<10240x128xf32, #tpu.memory_space<vmem_shared>>) offsets(%dma_start3A_381 : memref<128xi32, #tpu.memory_space<vmem>>) semaphore(%arg12 : memref<!tpu.dma_semaphore, #tpu.memory_space<semaphore_mem>>) {add = true}
      %mul3A_385 = arith.constant 2 : i32
      %mul3A_386 = arith.muli %mul3A_385, %scan3A_356 : i32
      %add3A_387 = arith.constant 1 : i32
      %add3A_388 = arith.addi %mul3A_386, %add3A_387 : i32
      %add3A_389 = arith.constant 40 : i32
      %add3A_390 = arith.addi %add3A_389, %add3A_388 : i32
      %mul3A_391 = arith.constant 128 : i32
      %mul3A_392 = arith.muli %add3A_390, %mul3A_391 : i32
      %dma_wait3A_393 = arith.constant 1 : i32
      %dma_wait3A_394 = arith.constant 0 : i32
      %dma_wait3A_395 = arith.constant 0 : i32
      %dma_wait3A_396 = tpu.memref_slice %arg8[%dma_wait3A_393, %dma_wait3A_394, %dma_wait3A_395] : memref<2x128x128xf32, #tpu.memory_space<vmem>> -> memref<1x128x128xf32, #tpu.memory_space<vmem>>
      %dma_wait3A_397 = tpu.memref_squeeze %dma_wait3A_396 : memref<1x128x128xf32, #tpu.memory_space<vmem>> -> memref<128x128xf32, #tpu.memory_space<vmem>>
      %dma_wait3A_398 = tpu.memref_slice %arg6[%mul3A_392] : memref<10240xi32, #tpu.memory_space<vmem>> -> memref<128xi32, #tpu.memory_space<vmem>>
      %dma_wait3A_399 = arith.constant 0 : i32
      %dma_wait3A_400 = arith.constant 0 : i32
      %dma_wait3A_401 = tpu.memref_slice %arg2[%dma_wait3A_399, %dma_wait3A_400] : memref<10000x128xf32, #tpu.memory_space<hbm>> -> memref<10000x128xf32, #tpu.memory_space<hbm>>
      tpu.wait_indirect_dma semaphore(%arg11 : memref<!tpu.dma_semaphore, #tpu.memory_space<semaphore_mem>>) src(%dma_wait3A_401 : memref<10000x128xf32, #tpu.memory_space<hbm>>) dst(%dma_wait3A_397 : memref<128x128xf32, #tpu.memory_space<vmem>>)
      %dma_start3A_402 = arith.constant 1 : i32
      %dma_start3A_403 = arith.constant 0 : i32
      %dma_start3A_404 = arith.constant 0 : i32
      %dma_start3A_405 = tpu.memref_slice %arg8[%dma_start3A_402, %dma_start3A_403, %dma_start3A_404] : memref<2x128x128xf32, #tpu.memory_space<vmem>> -> memref<1x128x128xf32, #tpu.memory_space<vmem>>
      %dma_start3A_406 = tpu.memref_squeeze %dma_start3A_405 : memref<1x128x128xf32, #tpu.memory_space<vmem>> -> memref<128x128xf32, #tpu.memory_space<vmem>>
      %dma_start3A_407 = arith.constant 0 : i32
      %dma_start3A_408 = tpu.memref_slice %arg7[%add3A_388, %dma_start3A_407] : memref<40x128xi32, #tpu.memory_space<vmem>> -> memref<1x128xi32, #tpu.memory_space<vmem>>
      %dma_start3A_409 = tpu.memref_squeeze %dma_start3A_408 : memref<1x128xi32, #tpu.memory_space<vmem>> -> memref<128xi32, #tpu.memory_space<vmem>>
      %dma_start3A_410 = arith.constant 0 : i32
      %dma_start3A_411 = arith.constant 0 : i32
      %dma_start3A_412 = tpu.memref_slice %arg9[%dma_start3A_410, %dma_start3A_411] : memref<10240x128xf32, #tpu.memory_space<vmem_shared>> -> memref<10240x128xf32, #tpu.memory_space<vmem_shared>>
      tpu.enqueue_indirect_dma source(%dma_start3A_406 : memref<128x128xf32, #tpu.memory_space<vmem>>) target(%dma_start3A_412 : memref<10240x128xf32, #tpu.memory_space<vmem_shared>>) offsets(%dma_start3A_409 : memref<128xi32, #tpu.memory_space<vmem>>) semaphore(%arg13 : memref<!tpu.dma_semaphore, #tpu.memory_space<semaphore_mem>>) {add = true}
      %mul3A_413 = arith.constant 2 : i32
      %mul3A_414 = arith.muli %mul3A_413, %scan3A_356 : i32
      %add3A_415 = arith.constant 0 : i32
      %add3A_416 = arith.addi %mul3A_414, %add3A_415 : i32
      %dma_wait3A_417 = arith.constant 0 : i32
      %dma_wait3A_418 = arith.constant 0 : i32
      %dma_wait3A_419 = arith.constant 0 : i32
      %dma_wait3A_420 = tpu.memref_slice %arg8[%dma_wait3A_417, %dma_wait3A_418, %dma_wait3A_419] : memref<2x128x128xf32, #tpu.memory_space<vmem>> -> memref<1x128x128xf32, #tpu.memory_space<vmem>>
      %dma_wait3A_421 = tpu.memref_squeeze %dma_wait3A_420 : memref<1x128x128xf32, #tpu.memory_space<vmem>> -> memref<128x128xf32, #tpu.memory_space<vmem>>
      %dma_wait3A_422 = arith.constant 0 : i32
      %dma_wait3A_423 = tpu.memref_slice %arg7[%add3A_416, %dma_wait3A_422] : memref<40x128xi32, #tpu.memory_space<vmem>> -> memref<1x128xi32, #tpu.memory_space<vmem>>
      %dma_wait3A_424 = tpu.memref_squeeze %dma_wait3A_423 : memref<1x128xi32, #tpu.memory_space<vmem>> -> memref<128xi32, #tpu.memory_space<vmem>>
      %dma_wait3A_425 = arith.constant 0 : i32
      %dma_wait3A_426 = arith.constant 0 : i32
      %dma_wait3A_427 = tpu.memref_slice %arg9[%dma_wait3A_425, %dma_wait3A_426] : memref<10240x128xf32, #tpu.memory_space<vmem_shared>> -> memref<10240x128xf32, #tpu.memory_space<vmem_shared>>
      tpu.wait_indirect_dma semaphore(%arg12 : memref<!tpu.dma_semaphore, #tpu.memory_space<semaphore_mem>>) src(%dma_wait3A_421 : memref<128x128xf32, #tpu.memory_space<vmem>>) dst(%dma_wait3A_427 : memref<10240x128xf32, #tpu.memory_space<vmem_shared>>)
      %add3A_428 = arith.constant 40 : i32
      %add3A_429 = arith.addi %add3A_428, %add3A_416 : i32
      %add3A_430 = arith.constant 2 : i32
      %add3A_431 = arith.addi %add3A_429, %add3A_430 : i32
      %mul3A_432 = arith.constant 128 : i32
      %mul3A_433 = arith.muli %add3A_431, %mul3A_432 : i32
      %dma_start3A_434 = arith.constant 0 : i32
      %dma_start3A_435 = arith.constant 0 : i32
      %dma_start3A_436 = arith.constant 0 : i32
      %dma_start3A_437 = tpu.memref_slice %arg8[%dma_start3A_434, %dma_start3A_435, %dma_start3A_436] : memref<2x128x128xf32, #tpu.memory_space<vmem>> -> memref<1x128x128xf32, #tpu.memory_space<vmem>>
      %dma_start3A_438 = tpu.memref_squeeze %dma_start3A_437 : memref<1x128x128xf32, #tpu.memory_space<vmem>> -> memref<128x128xf32, #tpu.memory_space<vmem>>
      %dma_start3A_439 = tpu.memref_slice %arg6[%mul3A_433] : memref<10240xi32, #tpu.memory_space<vmem>> -> memref<128xi32, #tpu.memory_space<vmem>>
      %dma_start3A_440 = arith.constant 0 : i32
      %dma_start3A_441 = arith.constant 0 : i32
      %dma_start3A_442 = tpu.memref_slice %arg2[%dma_start3A_440, %dma_start3A_441] : memref<10000x128xf32, #tpu.memory_space<hbm>> -> memref<10000x128xf32, #tpu.memory_space<hbm>>
      tpu.enqueue_indirect_dma source(%dma_start3A_442 : memref<10000x128xf32, #tpu.memory_space<hbm>>) target(%dma_start3A_438 : memref<128x128xf32, #tpu.memory_space<vmem>>) offsets(%dma_start3A_439 : memref<128xi32, #tpu.memory_space<vmem>>) semaphore(%arg10 : memref<!tpu.dma_semaphore, #tpu.memory_space<semaphore_mem>>)
      %mul3A_443 = arith.constant 2 : i32
      %mul3A_444 = arith.muli %mul3A_443, %scan3A_356 : i32
      %add3A_445 = arith.constant 1 : i32
      %add3A_446 = arith.addi %mul3A_444, %add3A_445 : i32
      %dma_wait3A_447 = arith.constant 1 : i32
      %dma_wait3A_448 = arith.constant 0 : i32
      %dma_wait3A_449 = arith.constant 0 : i32
      %dma_wait3A_450 = tpu.memref_slice %arg8[%dma_wait3A_447, %dma_wait3A_448, %dma_wait3A_449] : memref<2x128x128xf32, #tpu.memory_space<vmem>> -> memref<1x128x128xf32, #tpu.memory_space<vmem>>
      %dma_wait3A_451 = tpu.memref_squeeze %dma_wait3A_450 : memref<1x128x128xf32, #tpu.memory_space<vmem>> -> memref<128x128xf32, #tpu.memory_space<vmem>>
      %dma_wait3A_452 = arith.constant 0 : i32
      %dma_wait3A_453 = tpu.memref_slice %arg7[%add3A_446, %dma_wait3A_452] : memref<40x128xi32, #tpu.memory_space<vmem>> -> memref<1x128xi32, #tpu.memory_space<vmem>>
      %dma_wait3A_454 = tpu.memref_squeeze %dma_wait3A_453 : memref<1x128xi32, #tpu.memory_space<vmem>> -> memref<128xi32, #tpu.memory_space<vmem>>
      %dma_wait3A_455 = arith.constant 0 : i32
      %dma_wait3A_456 = arith.constant 0 : i32
      %dma_wait3A_457 = tpu.memref_slice %arg9[%dma_wait3A_455, %dma_wait3A_456] : memref<10240x128xf32, #tpu.memory_space<vmem_shared>> -> memref<10240x128xf32, #tpu.memory_space<vmem_shared>>
      tpu.wait_indirect_dma semaphore(%arg13 : memref<!tpu.dma_semaphore, #tpu.memory_space<semaphore_mem>>) src(%dma_wait3A_451 : memref<128x128xf32, #tpu.memory_space<vmem>>) dst(%dma_wait3A_457 : memref<10240x128xf32, #tpu.memory_space<vmem_shared>>)
      %add3A_458 = arith.constant 40 : i32
      %add3A_459 = arith.addi %add3A_458, %add3A_446 : i32
      %add3A_460 = arith.constant 2 : i32
      %add3A_461 = arith.addi %add3A_459, %add3A_460 : i32
      %mul3A_462 = arith.constant 128 : i32
      %mul3A_463 = arith.muli %add3A_461, %mul3A_462 : i32
      %dma_start3A_464 = arith.constant 1 : i32
      %dma_start3A_465 = arith.constant 0 : i32
      %dma_start3A_466 = arith.constant 0 : i32
      %dma_start3A_467 = tpu.memref_slice %arg8[%dma_start3A_464, %dma_start3A_465, %dma_start3A_466] : memref<2x128x128xf32, #tpu.memory_space<vmem>> -> memref<1x128x128xf32, #tpu.memory_space<vmem>>
      %dma_start3A_468 = tpu.memref_squeeze %dma_start3A_467 : memref<1x128x128xf32, #tpu.memory_space<vmem>> -> memref<128x128xf32, #tpu.memory_space<vmem>>
      %dma_start3A_469 = tpu.memref_slice %arg6[%mul3A_463] : memref<10240xi32, #tpu.memory_space<vmem>> -> memref<128xi32, #tpu.memory_space<vmem>>
      %dma_start3A_470 = arith.constant 0 : i32
      %dma_start3A_471 = arith.constant 0 : i32
      %dma_start3A_472 = tpu.memref_slice %arg2[%dma_start3A_470, %dma_start3A_471] : memref<10000x128xf32, #tpu.memory_space<hbm>> -> memref<10000x128xf32, #tpu.memory_space<hbm>>
      tpu.enqueue_indirect_dma source(%dma_start3A_472 : memref<10000x128xf32, #tpu.memory_space<hbm>>) target(%dma_start3A_468 : memref<128x128xf32, #tpu.memory_space<vmem>>) offsets(%dma_start3A_469 : memref<128xi32, #tpu.memory_space<vmem>>) semaphore(%arg11 : memref<!tpu.dma_semaphore, #tpu.memory_space<semaphore_mem>>)
    }
    %scan3A_282 = arith.constant 19 : i32
    %dma_wait3A_283 = arith.constant 0 : i32
    %dma_wait3A_284 = arith.constant 0 : i32
    %dma_wait3A_285 = arith.constant 0 : i32
    %dma_wait3A_286 = tpu.memref_slice %arg8[%dma_wait3A_283, %dma_wait3A_284, %dma_wait3A_285] : memref<2x128x128xf32, #tpu.memory_space<vmem>> -> memref<1x128x128xf32, #tpu.memory_space<vmem>>
    %dma_wait3A_287 = tpu.memref_squeeze %dma_wait3A_286 : memref<1x128x128xf32, #tpu.memory_space<vmem>> -> memref<128x128xf32, #tpu.memory_space<vmem>>
    %dma_wait3A_288 = arith.constant 9984 : i32
    %dma_wait3A_289 = tpu.memref_slice %arg6[%dma_wait3A_288] : memref<10240xi32, #tpu.memory_space<vmem>> -> memref<128xi32, #tpu.memory_space<vmem>>
    %dma_wait3A_290 = arith.constant 0 : i32
    %dma_wait3A_291 = arith.constant 0 : i32
    %dma_wait3A_292 = tpu.memref_slice %arg2[%dma_wait3A_290, %dma_wait3A_291] : memref<10000x128xf32, #tpu.memory_space<hbm>> -> memref<10000x128xf32, #tpu.memory_space<hbm>>
    tpu.wait_indirect_dma semaphore(%arg10 : memref<!tpu.dma_semaphore, #tpu.memory_space<semaphore_mem>>) src(%dma_wait3A_292 : memref<10000x128xf32, #tpu.memory_space<hbm>>) dst(%dma_wait3A_287 : memref<128x128xf32, #tpu.memory_space<vmem>>)
    %dma_start3A_293 = arith.constant 0 : i32
    %dma_start3A_294 = arith.constant 38 : i32
    %dma_start3A_295 = arith.constant 0 : i32
    %dma_start3A_296 = arith.constant 0 : i32
    %dma_start3A_297 = tpu.memref_slice %arg8[%dma_start3A_293, %dma_start3A_295, %dma_start3A_296] : memref<2x128x128xf32, #tpu.memory_space<vmem>> -> memref<1x128x128xf32, #tpu.memory_space<vmem>>
    %dma_start3A_298 = tpu.memref_squeeze %dma_start3A_297 : memref<1x128x128xf32, #tpu.memory_space<vmem>> -> memref<128x128xf32, #tpu.memory_space<vmem>>
    %dma_start3A_299 = arith.constant 0 : i32
    %dma_start3A_300 = tpu.memref_slice %arg7[%dma_start3A_294, %dma_start3A_299] : memref<40x128xi32, #tpu.memory_space<vmem>> -> memref<1x128xi32, #tpu.memory_space<vmem>>
    %dma_start3A_301 = tpu.memref_squeeze %dma_start3A_300 : memref<1x128xi32, #tpu.memory_space<vmem>> -> memref<128xi32, #tpu.memory_space<vmem>>
    %dma_start3A_302 = arith.constant 0 : i32
    %dma_start3A_303 = arith.constant 0 : i32
    %dma_start3A_304 = tpu.memref_slice %arg9[%dma_start3A_302, %dma_start3A_303] : memref<10240x128xf32, #tpu.memory_space<vmem_shared>> -> memref<10240x128xf32, #tpu.memory_space<vmem_shared>>
    tpu.enqueue_indirect_dma source(%dma_start3A_298 : memref<128x128xf32, #tpu.memory_space<vmem>>) target(%dma_start3A_304 : memref<10240x128xf32, #tpu.memory_space<vmem_shared>>) offsets(%dma_start3A_301 : memref<128xi32, #tpu.memory_space<vmem>>) semaphore(%arg12 : memref<!tpu.dma_semaphore, #tpu.memory_space<semaphore_mem>>) {add = true}
    %dma_wait3A_305 = arith.constant 1 : i32
    %dma_wait3A_306 = arith.constant 0 : i32
    %dma_wait3A_307 = arith.constant 0 : i32
    %dma_wait3A_308 = tpu.memref_slice %arg8[%dma_wait3A_305, %dma_wait3A_306, %dma_wait3A_307] : memref<2x128x128xf32, #tpu.memory_space<vmem>> -> memref<1x128x128xf32, #tpu.memory_space<vmem>>
    %dma_wait3A_309 = tpu.memref_squeeze %dma_wait3A_308 : memref<1x128x128xf32, #tpu.memory_space<vmem>> -> memref<128x128xf32, #tpu.memory_space<vmem>>
    %dma_wait3A_310 = arith.constant 10112 : i32
    %dma_wait3A_311 = tpu.memref_slice %arg6[%dma_wait3A_310] : memref<10240xi32, #tpu.memory_space<vmem>> -> memref<128xi32, #tpu.memory_space<vmem>>
    %dma_wait3A_312 = arith.constant 0 : i32
    %dma_wait3A_313 = arith.constant 0 : i32
    %dma_wait3A_314 = tpu.memref_slice %arg2[%dma_wait3A_312, %dma_wait3A_313] : memref<10000x128xf32, #tpu.memory_space<hbm>> -> memref<10000x128xf32, #tpu.memory_space<hbm>>
    tpu.wait_indirect_dma semaphore(%arg11 : memref<!tpu.dma_semaphore, #tpu.memory_space<semaphore_mem>>) src(%dma_wait3A_314 : memref<10000x128xf32, #tpu.memory_space<hbm>>) dst(%dma_wait3A_309 : memref<128x128xf32, #tpu.memory_space<vmem>>)
    %dma_start3A_315 = arith.constant 1 : i32
    %dma_start3A_316 = arith.constant 39 : i32
    %dma_start3A_317 = arith.constant 0 : i32
    %dma_start3A_318 = arith.constant 0 : i32
    %dma_start3A_319 = tpu.memref_slice %arg8[%dma_start3A_315, %dma_start3A_317, %dma_start3A_318] : memref<2x128x128xf32, #tpu.memory_space<vmem>> -> memref<1x128x128xf32, #tpu.memory_space<vmem>>
    %dma_start3A_320 = tpu.memref_squeeze %dma_start3A_319 : memref<1x128x128xf32, #tpu.memory_space<vmem>> -> memref<128x128xf32, #tpu.memory_space<vmem>>
    %dma_start3A_321 = arith.constant 0 : i32
    %dma_start3A_322 = tpu.memref_slice %arg7[%dma_start3A_316, %dma_start3A_321] : memref<40x128xi32, #tpu.memory_space<vmem>> -> memref<1x128xi32, #tpu.memory_space<vmem>>
    %dma_start3A_323 = tpu.memref_squeeze %dma_start3A_322 : memref<1x128xi32, #tpu.memory_space<vmem>> -> memref<128xi32, #tpu.memory_space<vmem>>
    %dma_start3A_324 = arith.constant 0 : i32
    %dma_start3A_325 = arith.constant 0 : i32
    %dma_start3A_326 = tpu.memref_slice %arg9[%dma_start3A_324, %dma_start3A_325] : memref<10240x128xf32, #tpu.memory_space<vmem_shared>> -> memref<10240x128xf32, #tpu.memory_space<vmem_shared>>
    tpu.enqueue_indirect_dma source(%dma_start3A_320 : memref<128x128xf32, #tpu.memory_space<vmem>>) target(%dma_start3A_326 : memref<10240x128xf32, #tpu.memory_space<vmem_shared>>) offsets(%dma_start3A_323 : memref<128xi32, #tpu.memory_space<vmem>>) semaphore(%arg13 : memref<!tpu.dma_semaphore, #tpu.memory_space<semaphore_mem>>) {add = true}
    %dma_wait3A_327 = arith.constant 0 : i32
    %dma_wait3A_328 = arith.constant 38 : i32
    %dma_wait3A_329 = arith.constant 0 : i32
    %dma_wait3A_330 = arith.constant 0 : i32
    %dma_wait3A_331 = tpu.memref_slice %arg8[%dma_wait3A_327, %dma_wait3A_329, %dma_wait3A_330] : memref<2x128x128xf32, #tpu.memory_space<vmem>> -> memref<1x128x128xf32, #tpu.memory_space<vmem>>
    %dma_wait3A_332 = tpu.memref_squeeze %dma_wait3A_331 : memref<1x128x128xf32, #tpu.memory_space<vmem>> -> memref<128x128xf32, #tpu.memory_space<vmem>>
    %dma_wait3A_333 = arith.constant 0 : i32
    %dma_wait3A_334 = tpu.memref_slice %arg7[%dma_wait3A_328, %dma_wait3A_333] : memref<40x128xi32, #tpu.memory_space<vmem>> -> memref<1x128xi32, #tpu.memory_space<vmem>>
    %dma_wait3A_335 = tpu.memref_squeeze %dma_wait3A_334 : memref<1x128xi32, #tpu.memory_space<vmem>> -> memref<128xi32, #tpu.memory_space<vmem>>
    %dma_wait3A_336 = arith.constant 0 : i32
    %dma_wait3A_337 = arith.constant 0 : i32
    %dma_wait3A_338 = tpu.memref_slice %arg9[%dma_wait3A_336, %dma_wait3A_337] : memref<10240x128xf32, #tpu.memory_space<vmem_shared>> -> memref<10240x128xf32, #tpu.memory_space<vmem_shared>>
    tpu.wait_indirect_dma semaphore(%arg12 : memref<!tpu.dma_semaphore, #tpu.memory_space<semaphore_mem>>) src(%dma_wait3A_332 : memref<128x128xf32, #tpu.memory_space<vmem>>) dst(%dma_wait3A_338 : memref<10240x128xf32, #tpu.memory_space<vmem_shared>>)
    %dma_wait3A_339 = arith.constant 1 : i32
    %dma_wait3A_340 = arith.constant 39 : i32
    %dma_wait3A_341 = arith.constant 0 : i32
    %dma_wait3A_342 = arith.constant 0 : i32
    %dma_wait3A_343 = tpu.memref_slice %arg8[%dma_wait3A_339, %dma_wait3A_341, %dma_wait3A_342] : memref<2x128x128xf32, #tpu.memory_space<vmem>> -> memref<1x128x128xf32, #tpu.memory_space<vmem>>
    %dma_wait3A_344 = tpu.memref_squeeze %dma_wait3A_343 : memref<1x128x128xf32, #tpu.memory_space<vmem>> -> memref<128x128xf32, #tpu.memory_space<vmem>>
    %dma_wait3A_345 = arith.constant 0 : i32
    %dma_wait3A_346 = tpu.memref_slice %arg7[%dma_wait3A_340, %dma_wait3A_345] : memref<40x128xi32, #tpu.memory_space<vmem>> -> memref<1x128xi32, #tpu.memory_space<vmem>>
    %dma_wait3A_347 = tpu.memref_squeeze %dma_wait3A_346 : memref<1x128xi32, #tpu.memory_space<vmem>> -> memref<128xi32, #tpu.memory_space<vmem>>
    %dma_wait3A_348 = arith.constant 0 : i32
    %dma_wait3A_349 = arith.constant 0 : i32
    %dma_wait3A_350 = tpu.memref_slice %arg9[%dma_wait3A_348, %dma_wait3A_349] : memref<10240x128xf32, #tpu.memory_space<vmem_shared>> -> memref<10240x128xf32, #tpu.memory_space<vmem_shared>>
    tpu.wait_indirect_dma semaphore(%arg13 : memref<!tpu.dma_semaphore, #tpu.memory_space<semaphore_mem>>) src(%dma_wait3A_344 : memref<128x128xf32, #tpu.memory_space<vmem>>) dst(%dma_wait3A_350 : memref<10240x128xf32, #tpu.memory_space<vmem_shared>>)
    %barrier3A_351 = arith.constant 0 : index
    tpu.barrier barrier_id(%barrier3A_351)
    %mul3A_352 = arith.constant 640 : i32
    %mul3A_353 = arith.muli %arg1, %mul3A_352 : i32
    %mul3A_354 = arith.constant 640 : i32
    %mul3A_355 = arith.muli %arg1, %mul3A_354 : i32
    "tpu.region"() ({
      %run_scoped3A_356 = tpu.sem_alloc : memref<!tpu.dma_semaphore, #tpu.memory_space<semaphore_mem>>
      %dma_start3A_357 = arith.constant 0 : i32
      %dma_start3A_358 = tpu.memref_slice %arg5[%arg0, %mul3A_355, %dma_start3A_357] : memref<2x10240x128xf32, #tpu.memory_space<hbm>> -> memref<1x640x128xf32, #tpu.memory_space<hbm>>
      %dma_start3A_359 = tpu.memref_squeeze %dma_start3A_358 : memref<1x640x128xf32, #tpu.memory_space<hbm>> -> memref<640x128xf32, #tpu.memory_space<hbm>>
      %dma_start3A_360 = arith.constant 0 : i32
      %dma_start3A_361 = tpu.memref_slice %arg9[%mul3A_353, %dma_start3A_360] : memref<10240x128xf32, #tpu.memory_space<vmem_shared>> -> memref<640x128xf32, #tpu.memory_space<vmem_shared>>
      tpu.enqueue_dma source(%dma_start3A_361 : memref<640x128xf32, #tpu.memory_space<vmem_shared>>) target(%dma_start3A_359 : memref<640x128xf32, #tpu.memory_space<hbm>>) target_semaphore(%run_scoped3A_356 : memref<!tpu.dma_semaphore, #tpu.memory_space<semaphore_mem>>)
      %dma_wait3A_362 = arith.constant 0 : i32
      %dma_wait3A_363 = tpu.memref_slice %arg5[%arg0, %mul3A_355, %dma_wait3A_362] : memref<2x10240x128xf32, #tpu.memory_space<hbm>> -> memref<1x640x128xf32, #tpu.memory_space<hbm>>
      %dma_wait3A_364 = tpu.memref_squeeze %dma_wait3A_363 : memref<1x640x128xf32, #tpu.memory_space<hbm>> -> memref<640x128xf32, #tpu.memory_space<hbm>>
      %dma_wait3A_365 = arith.constant 0 : i32
      %dma_wait3A_366 = tpu.memref_slice %arg9[%mul3A_353, %dma_wait3A_365] : memref<10240x128xf32, #tpu.memory_space<vmem_shared>> -> memref<640x128xf32, #tpu.memory_space<vmem_shared>>
      tpu.wait_dma2 semaphore(%run_scoped3A_356 : memref<!tpu.dma_semaphore, #tpu.memory_space<semaphore_mem>>) src(%dma_wait3A_366 : memref<640x128xf32, #tpu.memory_space<vmem_shared>>) dst(%dma_wait3A_364 : memref<640x128xf32, #tpu.memory_space<hbm>>)
      tpu.yield
    }) : () -> ()
    return
  }
}

#map = affine_map<(d0, d1) -> (0)>
#map1 = affine_map<(d0, d1) -> (0, 0)>
module attributes {stable_mosaic.version = 14 : i64} {
  func.func @_deg_kernel(%arg0: i32, %arg1: i32, %arg2: memref<640000xi32, #tpu.memory_space<hbm>>, %arg3: memref<32x10240xf32, #tpu.memory_space<hbm>>, %arg4: memref<10240xi32, #tpu.memory_space<vmem>>, %arg5: memref<10240xf32, #tpu.memory_space<vmem>>) attributes {dimension_semantics = [#tpu.dimension_semantics<core_parallel>, #tpu.dimension_semantics<subcore_parallel>], iteration_bounds = array<i64: 2, 16>, scalar_prefetch = 0 : i64, scratch_operands = 2 : i64, tpu.core_type = #tpu.core_type<sc_vector_subcore>, window_params = [{transform_indices = #map}, {transform_indices = #map1}]} {
    %mul3A = arith.constant 16 : i32
    %mul3A_0 = arith.muli %arg0, %mul3A : i32
    %add3A = arith.addi %mul3A_0, %arg1 : i32
    %mul3A_1 = arith.constant 10000 : i32
    %mul3A_2 = arith.muli %add3A, %mul3A_1 : i32
    %add3A_3 = arith.constant 320000 : i32
    %add3A_4 = arith.addi %add3A_3, %mul3A_2 : i32
    "tpu.region"() ({
      %run_scoped3A = tpu.sem_alloc : memref<!tpu.dma_semaphore, #tpu.memory_space<semaphore_mem>>
      %dma_start3A = arith.constant 0 : i32
      %dma_start3A_104 = tpu.memref_slice %arg4[%dma_start3A] : memref<10240xi32, #tpu.memory_space<vmem>> -> memref<10000xi32, #tpu.memory_space<vmem>>
      %dma_start3A_105 = tpu.memref_slice %arg2[%add3A_4] : memref<640000xi32, #tpu.memory_space<hbm>> -> memref<10000xi32, #tpu.memory_space<hbm>>
      %dma_start3A_106 = arith.constant 0 : i32
      %dma_start3A_107 = tpu.memref_slice %arg4[%dma_start3A_106] : memref<10240xi32, #tpu.memory_space<vmem>> -> memref<10000xi32, #tpu.memory_space<vmem>>
      %dma_start3A_108 = tpu.memref_slice %arg2[%add3A_4] : memref<640000xi32, #tpu.memory_space<hbm>> -> memref<10000xi32, #tpu.memory_space<hbm>>
      tpu.enqueue_dma source(%dma_start3A_108 : memref<10000xi32, #tpu.memory_space<hbm>>) target(%dma_start3A_107 : memref<10000xi32, #tpu.memory_space<vmem>>) target_semaphore(%run_scoped3A : memref<!tpu.dma_semaphore, #tpu.memory_space<semaphore_mem>>)
      %dma_wait3A = arith.constant 0 : i32
      %dma_wait3A_109 = tpu.memref_slice %arg4[%dma_wait3A] : memref<10240xi32, #tpu.memory_space<vmem>> -> memref<10000xi32, #tpu.memory_space<vmem>>
      %dma_wait3A_110 = tpu.memref_slice %arg2[%add3A_4] : memref<640000xi32, #tpu.memory_space<hbm>> -> memref<10000xi32, #tpu.memory_space<hbm>>
      %dma_wait3A_111 = arith.constant 0 : i32
      %dma_wait3A_112 = tpu.memref_slice %arg4[%dma_wait3A_111] : memref<10240xi32, #tpu.memory_space<vmem>> -> memref<10000xi32, #tpu.memory_space<vmem>>
      %dma_wait3A_113 = tpu.memref_slice %arg2[%add3A_4] : memref<640000xi32, #tpu.memory_space<hbm>> -> memref<10000xi32, #tpu.memory_space<hbm>>
      tpu.wait_dma2 semaphore(%run_scoped3A : memref<!tpu.dma_semaphore, #tpu.memory_space<semaphore_mem>>) src(%dma_wait3A_113 : memref<10000xi32, #tpu.memory_space<hbm>>) dst(%dma_wait3A_112 : memref<10000xi32, #tpu.memory_space<vmem>>)
      tpu.yield
    }) : () -> ()
    %iota3A = tpu.iota {dimensions = array<i32: 0>} : vector<16xi32>
    %add3A_5 = arith.constant 10000 : i32
    %add3A_6 = vector.broadcast %add3A_5 : i32 to vector<16xi32>
    %add3A_7 = arith.addi %add3A_6, %iota3A : vector<16xi32>
    %swap3A = arith.constant 10000 : index
    %swap3A_8 = tpu.vector_load %arg4[%swap3A] {strides = array<i32>} : memref<10240xi32, #tpu.memory_space<vmem>>, vector<16xi32>,
    tpu.vector_store %arg4[%swap3A], %add3A_7 {strides = array<i32>} : memref<10240xi32, #tpu.memory_space<vmem>>, vector<16xi32>,
    %iota3A_9 = tpu.iota {dimensions = array<i32: 0>} : vector<16xi32>
    %add3A_10 = arith.constant 10016 : i32
    %add3A_11 = vector.broadcast %add3A_10 : i32 to vector<16xi32>
    %add3A_12 = arith.addi %add3A_11, %iota3A_9 : vector<16xi32>
    %swap3A_13 = arith.constant 10016 : index
    %swap3A_14 = tpu.vector_load %arg4[%swap3A_13] {strides = array<i32>} : memref<10240xi32, #tpu.memory_space<vmem>>, vector<16xi32>,
    tpu.vector_store %arg4[%swap3A_13], %add3A_12 {strides = array<i32>} : memref<10240xi32, #tpu.memory_space<vmem>>, vector<16xi32>,
    %iota3A_15 = tpu.iota {dimensions = array<i32: 0>} : vector<16xi32>
    %add3A_16 = arith.constant 10032 : i32
    %add3A_17 = vector.broadcast %add3A_16 : i32 to vector<16xi32>
    %add3A_18 = arith.addi %add3A_17, %iota3A_15 : vector<16xi32>
    %swap3A_19 = arith.constant 10032 : index
    %swap3A_20 = tpu.vector_load %arg4[%swap3A_19] {strides = array<i32>} : memref<10240xi32, #tpu.memory_space<vmem>>, vector<16xi32>,
    tpu.vector_store %arg4[%swap3A_19], %add3A_18 {strides = array<i32>} : memref<10240xi32, #tpu.memory_space<vmem>>, vector<16xi32>,
    %iota3A_21 = tpu.iota {dimensions = array<i32: 0>} : vector<16xi32>
    %add3A_22 = arith.constant 10048 : i32
    %add3A_23 = vector.broadcast %add3A_22 : i32 to vector<16xi32>
    %add3A_24 = arith.addi %add3A_23, %iota3A_21 : vector<16xi32>
    %swap3A_25 = arith.constant 10048 : index
    %swap3A_26 = tpu.vector_load %arg4[%swap3A_25] {strides = array<i32>} : memref<10240xi32, #tpu.memory_space<vmem>>, vector<16xi32>,
    tpu.vector_store %arg4[%swap3A_25], %add3A_24 {strides = array<i32>} : memref<10240xi32, #tpu.memory_space<vmem>>, vector<16xi32>,
    %iota3A_27 = tpu.iota {dimensions = array<i32: 0>} : vector<16xi32>
    %add3A_28 = arith.constant 10064 : i32
    %add3A_29 = vector.broadcast %add3A_28 : i32 to vector<16xi32>
    %add3A_30 = arith.addi %add3A_29, %iota3A_27 : vector<16xi32>
    %swap3A_31 = arith.constant 10064 : index
    %swap3A_32 = tpu.vector_load %arg4[%swap3A_31] {strides = array<i32>} : memref<10240xi32, #tpu.memory_space<vmem>>, vector<16xi32>,
    tpu.vector_store %arg4[%swap3A_31], %add3A_30 {strides = array<i32>} : memref<10240xi32, #tpu.memory_space<vmem>>, vector<16xi32>,
    %iota3A_33 = tpu.iota {dimensions = array<i32: 0>} : vector<16xi32>
    %add3A_34 = arith.constant 10080 : i32
    %add3A_35 = vector.broadcast %add3A_34 : i32 to vector<16xi32>
    %add3A_36 = arith.addi %add3A_35, %iota3A_33 : vector<16xi32>
    %swap3A_37 = arith.constant 10080 : index
    %swap3A_38 = tpu.vector_load %arg4[%swap3A_37] {strides = array<i32>} : memref<10240xi32, #tpu.memory_space<vmem>>, vector<16xi32>,
    tpu.vector_store %arg4[%swap3A_37], %add3A_36 {strides = array<i32>} : memref<10240xi32, #tpu.memory_space<vmem>>, vector<16xi32>,
    %iota3A_39 = tpu.iota {dimensions = array<i32: 0>} : vector<16xi32>
    %add3A_40 = arith.constant 10096 : i32
    %add3A_41 = vector.broadcast %add3A_40 : i32 to vector<16xi32>
    %add3A_42 = arith.addi %add3A_41, %iota3A_39 : vector<16xi32>
    %swap3A_43 = arith.constant 10096 : index
    %swap3A_44 = tpu.vector_load %arg4[%swap3A_43] {strides = array<i32>} : memref<10240xi32, #tpu.memory_space<vmem>>, vector<16xi32>,
    tpu.vector_store %arg4[%swap3A_43], %add3A_42 {strides = array<i32>} : memref<10240xi32, #tpu.memory_space<vmem>>, vector<16xi32>,
    %iota3A_45 = tpu.iota {dimensions = array<i32: 0>} : vector<16xi32>
    %add3A_46 = arith.constant 10112 : i32
    %add3A_47 = vector.broadcast %add3A_46 : i32 to vector<16xi32>
    %add3A_48 = arith.addi %add3A_47, %iota3A_45 : vector<16xi32>
    %swap3A_49 = arith.constant 10112 : index
    %swap3A_50 = tpu.vector_load %arg4[%swap3A_49] {strides = array<i32>} : memref<10240xi32, #tpu.memory_space<vmem>>, vector<16xi32>,
    tpu.vector_store %arg4[%swap3A_49], %add3A_48 {strides = array<i32>} : memref<10240xi32, #tpu.memory_space<vmem>>, vector<16xi32>,
    %iota3A_51 = tpu.iota {dimensions = array<i32: 0>} : vector<16xi32>
    %add3A_52 = arith.constant 10128 : i32
    %add3A_53 = vector.broadcast %add3A_52 : i32 to vector<16xi32>
    %add3A_54 = arith.addi %add3A_53, %iota3A_51 : vector<16xi32>
    %swap3A_55 = arith.constant 10128 : index
    %swap3A_56 = tpu.vector_load %arg4[%swap3A_55] {strides = array<i32>} : memref<10240xi32, #tpu.memory_space<vmem>>, vector<16xi32>,
    tpu.vector_store %arg4[%swap3A_55], %add3A_54 {strides = array<i32>} : memref<10240xi32, #tpu.memory_space<vmem>>, vector<16xi32>,
    %iota3A_57 = tpu.iota {dimensions = array<i32: 0>} : vector<16xi32>
    %add3A_58 = arith.constant 10144 : i32
    %add3A_59 = vector.broadcast %add3A_58 : i32 to vector<16xi32>
    %add3A_60 = arith.addi %add3A_59, %iota3A_57 : vector<16xi32>
    %swap3A_61 = arith.constant 10144 : index
    %swap3A_62 = tpu.vector_load %arg4[%swap3A_61] {strides = array<i32>} : memref<10240xi32, #tpu.memory_space<vmem>>, vector<16xi32>,
    tpu.vector_store %arg4[%swap3A_61], %add3A_60 {strides = array<i32>} : memref<10240xi32, #tpu.memory_space<vmem>>, vector<16xi32>,
    %iota3A_63 = tpu.iota {dimensions = array<i32: 0>} : vector<16xi32>
    %add3A_64 = arith.constant 10160 : i32
    %add3A_65 = vector.broadcast %add3A_64 : i32 to vector<16xi32>
    %add3A_66 = arith.addi %add3A_65, %iota3A_63 : vector<16xi32>
    %swap3A_67 = arith.constant 10160 : index
    %swap3A_68 = tpu.vector_load %arg4[%swap3A_67] {strides = array<i32>} : memref<10240xi32, #tpu.memory_space<vmem>>, vector<16xi32>,
    tpu.vector_store %arg4[%swap3A_67], %add3A_66 {strides = array<i32>} : memref<10240xi32, #tpu.memory_space<vmem>>, vector<16xi32>,
    %iota3A_69 = tpu.iota {dimensions = array<i32: 0>} : vector<16xi32>
    %add3A_70 = arith.constant 10176 : i32
    %add3A_71 = vector.broadcast %add3A_70 : i32 to vector<16xi32>
    %add3A_72 = arith.addi %add3A_71, %iota3A_69 : vector<16xi32>
    %swap3A_73 = arith.constant 10176 : index
    %swap3A_74 = tpu.vector_load %arg4[%swap3A_73] {strides = array<i32>} : memref<10240xi32, #tpu.memory_space<vmem>>, vector<16xi32>,
    tpu.vector_store %arg4[%swap3A_73], %add3A_72 {strides = array<i32>} : memref<10240xi32, #tpu.memory_space<vmem>>, vector<16xi32>,
    %iota3A_75 = tpu.iota {dimensions = array<i32: 0>} : vector<16xi32>
    %add3A_76 = arith.constant 10192 : i32
    %add3A_77 = vector.broadcast %add3A_76 : i32 to vector<16xi32>
    %add3A_78 = arith.addi %add3A_77, %iota3A_75 : vector<16xi32>
    %swap3A_79 = arith.constant 10192 : index
    %swap3A_80 = tpu.vector_load %arg4[%swap3A_79] {strides = array<i32>} : memref<10240xi32, #tpu.memory_space<vmem>>, vector<16xi32>,
    tpu.vector_store %arg4[%swap3A_79], %add3A_78 {strides = array<i32>} : memref<10240xi32, #tpu.memory_space<vmem>>, vector<16xi32>,
    %iota3A_81 = tpu.iota {dimensions = array<i32: 0>} : vector<16xi32>
    %add3A_82 = arith.constant 10208 : i32
    %add3A_83 = vector.broadcast %add3A_82 : i32 to vector<16xi32>
    %add3A_84 = arith.addi %add3A_83, %iota3A_81 : vector<16xi32>
    %swap3A_85 = arith.constant 10208 : index
    %swap3A_86 = tpu.vector_load %arg4[%swap3A_85] {strides = array<i32>} : memref<10240xi32, #tpu.memory_space<vmem>>, vector<16xi32>,
    tpu.vector_store %arg4[%swap3A_85], %add3A_84 {strides = array<i32>} : memref<10240xi32, #tpu.memory_space<vmem>>, vector<16xi32>,
    %iota3A_87 = tpu.iota {dimensions = array<i32: 0>} : vector<16xi32>
    %add3A_88 = arith.constant 10224 : i32
    %add3A_89 = vector.broadcast %add3A_88 : i32 to vector<16xi32>
    %add3A_90 = arith.addi %add3A_89, %iota3A_87 : vector<16xi32>
    %swap3A_91 = arith.constant 10224 : index
    %swap3A_92 = tpu.vector_load %arg4[%swap3A_91] {strides = array<i32>} : memref<10240xi32, #tpu.memory_space<vmem>>, vector<16xi32>,
    tpu.vector_store %arg4[%swap3A_91], %add3A_90 {strides = array<i32>} : memref<10240xi32, #tpu.memory_space<vmem>>, vector<16xi32>,
    %scan3A = arith.constant 0 : i32
    %scan3A_93 = arith.constant 0 : i32
    %scan3A_94 = arith.constant 80 : i32
    %scan3A_95 = arith.addi %scan3A_93, %scan3A_94 : i32
    %scan3A_96 = arith.constant 1 : i32
    scf.for %scan3A_104 = %scan3A_93 to %scan3A_95 step %scan3A_96  : i32 {
      %broadcast_in_dim3A = arith.constant 0.000000e+00 : f32
      %broadcast_in_dim3A_105 = vector.broadcast %broadcast_in_dim3A : f32 to vector<16xf32>
      %mul3A_106 = arith.constant 128 : i32
      %mul3A_107 = arith.muli %scan3A_104, %mul3A_106 : i32
      %add3A_108 = arith.constant 0 : i32
      %add3A_109 = arith.addi %mul3A_107, %add3A_108 : i32
      %swap3A_110 = arith.index_cast %add3A_109 : i32 to index
      %swap3A_111 = tpu.vector_load %arg5[%swap3A_110] {strides = array<i32>} : memref<10240xf32, #tpu.memory_space<vmem>>, vector<16xf32>,
      tpu.vector_store %arg5[%swap3A_110], %broadcast_in_dim3A_105 {strides = array<i32>} : memref<10240xf32, #tpu.memory_space<vmem>>, vector<16xf32>,
      %broadcast_in_dim3A_112 = arith.constant 0.000000e+00 : f32
      %broadcast_in_dim3A_113 = vector.broadcast %broadcast_in_dim3A_112 : f32 to vector<16xf32>
      %mul3A_114 = arith.constant 128 : i32
      %mul3A_115 = arith.muli %scan3A_104, %mul3A_114 : i32
      %add3A_116 = arith.constant 16 : i32
      %add3A_117 = arith.addi %mul3A_115, %add3A_116 : i32
      %swap3A_118 = arith.index_cast %add3A_117 : i32 to index
      %swap3A_119 = tpu.vector_load %arg5[%swap3A_118] {strides = array<i32>} : memref<10240xf32, #tpu.memory_space<vmem>>, vector<16xf32>,
      tpu.vector_store %arg5[%swap3A_118], %broadcast_in_dim3A_113 {strides = array<i32>} : memref<10240xf32, #tpu.memory_space<vmem>>, vector<16xf32>,
      %broadcast_in_dim3A_120 = arith.constant 0.000000e+00 : f32
      %broadcast_in_dim3A_121 = vector.broadcast %broadcast_in_dim3A_120 : f32 to vector<16xf32>
      %mul3A_122 = arith.constant 128 : i32
      %mul3A_123 = arith.muli %scan3A_104, %mul3A_122 : i32
      %add3A_124 = arith.constant 32 : i32
      %add3A_125 = arith.addi %mul3A_123, %add3A_124 : i32
      %swap3A_126 = arith.index_cast %add3A_125 : i32 to index
      %swap3A_127 = tpu.vector_load %arg5[%swap3A_126] {strides = array<i32>} : memref<10240xf32, #tpu.memory_space<vmem>>, vector<16xf32>,
      tpu.vector_store %arg5[%swap3A_126], %broadcast_in_dim3A_121 {strides = array<i32>} : memref<10240xf32, #tpu.memory_space<vmem>>, vector<16xf32>,
      %broadcast_in_dim3A_128 = arith.constant 0.000000e+00 : f32
      %broadcast_in_dim3A_129 = vector.broadcast %broadcast_in_dim3A_128 : f32 to vector<16xf32>
      %mul3A_130 = arith.constant 128 : i32
      %mul3A_131 = arith.muli %scan3A_104, %mul3A_130 : i32
      %add3A_132 = arith.constant 48 : i32
      %add3A_133 = arith.addi %mul3A_131, %add3A_132 : i32
      %swap3A_134 = arith.index_cast %add3A_133 : i32 to index
      %swap3A_135 = tpu.vector_load %arg5[%swap3A_134] {strides = array<i32>} : memref<10240xf32, #tpu.memory_space<vmem>>, vector<16xf32>,
      tpu.vector_store %arg5[%swap3A_134], %broadcast_in_dim3A_129 {strides = array<i32>} : memref<10240xf32, #tpu.memory_space<vmem>>, vector<16xf32>,
      %broadcast_in_dim3A_136 = arith.constant 0.000000e+00 : f32
      %broadcast_in_dim3A_137 = vector.broadcast %broadcast_in_dim3A_136 : f32 to vector<16xf32>
      %mul3A_138 = arith.constant 128 : i32
      %mul3A_139 = arith.muli %scan3A_104, %mul3A_138 : i32
      %add3A_140 = arith.constant 64 : i32
      %add3A_141 = arith.addi %mul3A_139, %add3A_140 : i32
      %swap3A_142 = arith.index_cast %add3A_141 : i32 to index
      %swap3A_143 = tpu.vector_load %arg5[%swap3A_142] {strides = array<i32>} : memref<10240xf32, #tpu.memory_space<vmem>>, vector<16xf32>,
      tpu.vector_store %arg5[%swap3A_142], %broadcast_in_dim3A_137 {strides = array<i32>} : memref<10240xf32, #tpu.memory_space<vmem>>, vector<16xf32>,
      %broadcast_in_dim3A_144 = arith.constant 0.000000e+00 : f32
      %broadcast_in_dim3A_145 = vector.broadcast %broadcast_in_dim3A_144 : f32 to vector<16xf32>
      %mul3A_146 = arith.constant 128 : i32
      %mul3A_147 = arith.muli %scan3A_104, %mul3A_146 : i32
      %add3A_148 = arith.constant 80 : i32
      %add3A_149 = arith.addi %mul3A_147, %add3A_148 : i32
      %swap3A_150 = arith.index_cast %add3A_149 : i32 to index
      %swap3A_151 = tpu.vector_load %arg5[%swap3A_150] {strides = array<i32>} : memref<10240xf32, #tpu.memory_space<vmem>>, vector<16xf32>,
      tpu.vector_store %arg5[%swap3A_150], %broadcast_in_dim3A_145 {strides = array<i32>} : memref<10240xf32, #tpu.memory_space<vmem>>, vector<16xf32>,
      %broadcast_in_dim3A_152 = arith.constant 0.000000e+00 : f32
      %broadcast_in_dim3A_153 = vector.broadcast %broadcast_in_dim3A_152 : f32 to vector<16xf32>
      %mul3A_154 = arith.constant 128 : i32
      %mul3A_155 = arith.muli %scan3A_104, %mul3A_154 : i32
      %add3A_156 = arith.constant 96 : i32
      %add3A_157 = arith.addi %mul3A_155, %add3A_156 : i32
      %swap3A_158 = arith.index_cast %add3A_157 : i32 to index
      %swap3A_159 = tpu.vector_load %arg5[%swap3A_158] {strides = array<i32>} : memref<10240xf32, #tpu.memory_space<vmem>>, vector<16xf32>,
      tpu.vector_store %arg5[%swap3A_158], %broadcast_in_dim3A_153 {strides = array<i32>} : memref<10240xf32, #tpu.memory_space<vmem>>, vector<16xf32>,
      %broadcast_in_dim3A_160 = arith.constant 0.000000e+00 : f32
      %broadcast_in_dim3A_161 = vector.broadcast %broadcast_in_dim3A_160 : f32 to vector<16xf32>
      %mul3A_162 = arith.constant 128 : i32
      %mul3A_163 = arith.muli %scan3A_104, %mul3A_162 : i32
      %add3A_164 = arith.constant 112 : i32
      %add3A_165 = arith.addi %mul3A_163, %add3A_164 : i32
      %swap3A_166 = arith.index_cast %add3A_165 : i32 to index
      %swap3A_167 = tpu.vector_load %arg5[%swap3A_166] {strides = array<i32>} : memref<10240xf32, #tpu.memory_space<vmem>>, vector<16xf32>,
      tpu.vector_store %arg5[%swap3A_166], %broadcast_in_dim3A_161 {strides = array<i32>} : memref<10240xf32, #tpu.memory_space<vmem>>, vector<16xf32>,
    }
    %scan3A_97 = arith.constant 80 : i32
    %scan3A_98 = arith.constant 0 : i32
    %scan3A_99 = arith.constant 0 : i32
    %scan3A_100 = arith.constant 160 : i32
    %scan3A_101 = arith.addi %scan3A_99, %scan3A_100 : i32
    %scan3A_102 = arith.constant 1 : i32
    scf.for %scan3A_104 = %scan3A_99 to %scan3A_101 step %scan3A_102  : i32 {
      %mul3A_105 = arith.constant 64 : i32
      %mul3A_106 = arith.muli %scan3A_104, %mul3A_105 : i32
      %add3A_107 = arith.constant 0 : i32
      %add3A_108 = arith.addi %mul3A_106, %add3A_107 : i32
      %get3A = arith.index_cast %add3A_108 : i32 to index
      %get3A_109 = tpu.vector_load %arg4[%get3A] {strides = array<i32>} : memref<10240xi32, #tpu.memory_space<vmem>>, vector<16xi32>,
      %broadcast_in_dim3A = arith.constant true
      %broadcast_in_dim3A_110 = vector.broadcast %broadcast_in_dim3A : i1 to vector<16xi1>
      %unique3A, %unique3A_111 = tpu.scan_count mask(%broadcast_in_dim3A_110 : vector<16xi1>) value(%get3A_109 : vector<16xi32>) : vector<16xi1>, vector<16xi32>
      %convert_element_type3A = arith.sitofp %unique3A_111 : vector<16xi32> to vector<16xf32>
      tpu.vector_store_idx %arg5[%get3A_109], %convert_element_type3A masked %unique3A {add = true} : memref<10240xf32, #tpu.memory_space<vmem>>[vector<16xi32>], vector<16xf32>, vector<16xi1>
      %mul3A_112 = arith.constant 64 : i32
      %mul3A_113 = arith.muli %scan3A_104, %mul3A_112 : i32
      %add3A_114 = arith.constant 16 : i32
      %add3A_115 = arith.addi %mul3A_113, %add3A_114 : i32
      %get3A_116 = arith.index_cast %add3A_115 : i32 to index
      %get3A_117 = tpu.vector_load %arg4[%get3A_116] {strides = array<i32>} : memref<10240xi32, #tpu.memory_space<vmem>>, vector<16xi32>,
      %broadcast_in_dim3A_118 = arith.constant true
      %broadcast_in_dim3A_119 = vector.broadcast %broadcast_in_dim3A_118 : i1 to vector<16xi1>
      %unique3A_120, %unique3A_121 = tpu.scan_count mask(%broadcast_in_dim3A_119 : vector<16xi1>) value(%get3A_117 : vector<16xi32>) : vector<16xi1>, vector<16xi32>
      %convert_element_type3A_122 = arith.sitofp %unique3A_121 : vector<16xi32> to vector<16xf32>
      tpu.vector_store_idx %arg5[%get3A_117], %convert_element_type3A_122 masked %unique3A_120 {add = true} : memref<10240xf32, #tpu.memory_space<vmem>>[vector<16xi32>], vector<16xf32>, vector<16xi1>
      %mul3A_123 = arith.constant 64 : i32
      %mul3A_124 = arith.muli %scan3A_104, %mul3A_123 : i32
      %add3A_125 = arith.constant 32 : i32
      %add3A_126 = arith.addi %mul3A_124, %add3A_125 : i32
      %get3A_127 = arith.index_cast %add3A_126 : i32 to index
      %get3A_128 = tpu.vector_load %arg4[%get3A_127] {strides = array<i32>} : memref<10240xi32, #tpu.memory_space<vmem>>, vector<16xi32>,
      %broadcast_in_dim3A_129 = arith.constant true
      %broadcast_in_dim3A_130 = vector.broadcast %broadcast_in_dim3A_129 : i1 to vector<16xi1>
      %unique3A_131, %unique3A_132 = tpu.scan_count mask(%broadcast_in_dim3A_130 : vector<16xi1>) value(%get3A_128 : vector<16xi32>) : vector<16xi1>, vector<16xi32>
      %convert_element_type3A_133 = arith.sitofp %unique3A_132 : vector<16xi32> to vector<16xf32>
      tpu.vector_store_idx %arg5[%get3A_128], %convert_element_type3A_133 masked %unique3A_131 {add = true} : memref<10240xf32, #tpu.memory_space<vmem>>[vector<16xi32>], vector<16xf32>, vector<16xi1>
      %mul3A_134 = arith.constant 64 : i32
      %mul3A_135 = arith.muli %scan3A_104, %mul3A_134 : i32
      %add3A_136 = arith.constant 48 : i32
      %add3A_137 = arith.addi %mul3A_135, %add3A_136 : i32
      %get3A_138 = arith.index_cast %add3A_137 : i32 to index
      %get3A_139 = tpu.vector_load %arg4[%get3A_138] {strides = array<i32>} : memref<10240xi32, #tpu.memory_space<vmem>>, vector<16xi32>,
      %broadcast_in_dim3A_140 = arith.constant true
      %broadcast_in_dim3A_141 = vector.broadcast %broadcast_in_dim3A_140 : i1 to vector<16xi1>
      %unique3A_142, %unique3A_143 = tpu.scan_count mask(%broadcast_in_dim3A_141 : vector<16xi1>) value(%get3A_139 : vector<16xi32>) : vector<16xi1>, vector<16xi32>
      %convert_element_type3A_144 = arith.sitofp %unique3A_143 : vector<16xi32> to vector<16xf32>
      tpu.vector_store_idx %arg5[%get3A_139], %convert_element_type3A_144 masked %unique3A_142 {add = true} : memref<10240xf32, #tpu.memory_space<vmem>>[vector<16xi32>], vector<16xf32>, vector<16xi1>
    }
    %scan3A_103 = arith.constant 160 : i32
    "tpu.region"() ({
      %run_scoped3A = tpu.sem_alloc : memref<!tpu.dma_semaphore, #tpu.memory_space<semaphore_mem>>
      %dma_start3A = arith.constant 0 : i32
      %dma_start3A_104 = tpu.memref_slice %arg3[%add3A, %dma_start3A] : memref<32x10240xf32, #tpu.memory_space<hbm>> -> memref<1x10240xf32, #tpu.memory_space<hbm>>
      %dma_start3A_105 = tpu.memref_squeeze %dma_start3A_104 : memref<1x10240xf32, #tpu.memory_space<hbm>> -> memref<10240xf32, #tpu.memory_space<hbm>>
      %dma_start3A_106 = arith.constant 0 : i32
      %dma_start3A_107 = tpu.memref_slice %arg3[%add3A, %dma_start3A_106] : memref<32x10240xf32, #tpu.memory_space<hbm>> -> memref<1x10240xf32, #tpu.memory_space<hbm>>
      %dma_start3A_108 = tpu.memref_squeeze %dma_start3A_107 : memref<1x10240xf32, #tpu.memory_space<hbm>> -> memref<10240xf32, #tpu.memory_space<hbm>>
      tpu.enqueue_dma source(%arg5 : memref<10240xf32, #tpu.memory_space<vmem>>) target(%dma_start3A_108 : memref<10240xf32, #tpu.memory_space<hbm>>) target_semaphore(%run_scoped3A : memref<!tpu.dma_semaphore, #tpu.memory_space<semaphore_mem>>)
      %dma_wait3A = arith.constant 0 : i32
      %dma_wait3A_109 = tpu.memref_slice %arg3[%add3A, %dma_wait3A] : memref<32x10240xf32, #tpu.memory_space<hbm>> -> memref<1x10240xf32, #tpu.memory_space<hbm>>
      %dma_wait3A_110 = tpu.memref_squeeze %dma_wait3A_109 : memref<1x10240xf32, #tpu.memory_space<hbm>> -> memref<10240xf32, #tpu.memory_space<hbm>>
      %dma_wait3A_111 = arith.constant 0 : i32
      %dma_wait3A_112 = tpu.memref_slice %arg3[%add3A, %dma_wait3A_111] : memref<32x10240xf32, #tpu.memory_space<hbm>> -> memref<1x10240xf32, #tpu.memory_space<hbm>>
      %dma_wait3A_113 = tpu.memref_squeeze %dma_wait3A_112 : memref<1x10240xf32, #tpu.memory_space<hbm>> -> memref<10240xf32, #tpu.memory_space<hbm>>
      tpu.wait_dma2 semaphore(%run_scoped3A : memref<!tpu.dma_semaphore, #tpu.memory_space<semaphore_mem>>) src(%arg5 : memref<10240xf32, #tpu.memory_space<vmem>>) dst(%dma_wait3A_113 : memref<10240xf32, #tpu.memory_space<hbm>>)
      tpu.yield
    }) : () -> ()
    return
  }
}

module attributes {stable_mosaic.version = 14 : i64} {
  func.func @_yscale_body(%arg0: i32, %arg1: memref<2000x128xf32, #tpu.memory_space<vmem>>, %arg2: memref<2000x1xf32, #tpu.memory_space<vmem>>, %arg3: memref<2000x128xf32, #tpu.memory_space<vmem>>) attributes {dimension_semantics = [#tpu.dimension_semantics<arbitrary>], iteration_bounds = array<i64: 5>, scalar_prefetch = 0 : i64, scratch_operands = 0 : i64, tpu.core_type = #tpu.core_type<tc>, window_params = [{transform_indices = @transform_0, window_bounds = array<i64: 2000, 128>}, {transform_indices = @transform_1, window_bounds = array<i64: 2000, 1>}, {transform_indices = @transform_2, window_bounds = array<i64: 2000, 128>}]} {
    %get3A = arith.constant 0 : index
    %get3A_0 = arith.constant 0 : index
    %get3A_1 = vector.load %arg2[%get3A, %get3A_0] : memref<2000x1xf32, #tpu.memory_space<vmem>>, vector<2000x1xf32>
    %add3A = arith.constant 1.000000e+00 : f32
    %add3A_2 = vector.broadcast %add3A : f32 to vector<2000x1xf32>
    %add3A_3 = arith.addf %get3A_1, %add3A_2 : vector<2000x1xf32>
    %rsqrt3A = math.rsqrt %add3A_3 : vector<2000x1xf32>
    %get3A_4 = arith.constant 0 : index
    %get3A_5 = arith.constant 0 : index
    %get3A_6 = vector.load %arg1[%get3A_4, %get3A_5] : memref<2000x128xf32, #tpu.memory_space<vmem>>, vector<2000x128xf32>
    %mul3A = vector.broadcast %rsqrt3A : vector<2000x1xf32> to vector<2000x128xf32>
    %mul3A_7 = arith.mulf %get3A_6, %mul3A : vector<2000x128xf32>
    %swap3A = arith.constant 0 : index
    %swap3A_8 = arith.constant 0 : index
    %swap3A_9 = vector.load %arg3[%swap3A, %swap3A_8] : memref<2000x128xf32, #tpu.memory_space<vmem>>, vector<2000x128xf32>
    tpu.vector_store %arg3[%swap3A, %swap3A_8], %mul3A_7 {strides = array<i32>} : memref<2000x128xf32, #tpu.memory_space<vmem>>, vector<2000x128xf32>,
    return
  }
  func.func @transform_0(%arg0: i32) -> (i32, i32) {
    %c0_i32 = arith.constant 0 : i32
    %c0_i32_0 = arith.constant 0 : i32
    return %arg0, %c0_i32 : i32, i32
  }
  func.func @transform_1(%arg0: i32) -> (i32, i32) {
    %c0_i32 = arith.constant 0 : i32
    %c0_i32_0 = arith.constant 0 : i32
    return %arg0, %c0_i32 : i32, i32
  }
  func.func @transform_2(%arg0: i32) -> (i32, i32) {
    %c0_i32 = arith.constant 0 : i32
    %c0_i32_0 = arith.constant 0 : i32
    return %arg0, %c0_i32 : i32, i32
  }
}

module attributes {stable_mosaic.version = 14 : i64} {
  func.func @_final_body(%arg0: i32, %arg1: memref<2000x128xf32, #tpu.memory_space<vmem>>, %arg2: memref<2000x128xf32, #tpu.memory_space<vmem>>, %arg3: memref<2x2000x128xf32, #tpu.memory_space<vmem>>, %arg4: memref<2000x1xf32, #tpu.memory_space<vmem>>, %arg5: memref<128x128xf32, #tpu.memory_space<vmem>>, %arg6: memref<1x128xf32, #tpu.memory_space<vmem>>, %arg7: memref<2000x128xf32, #tpu.memory_space<vmem>>) attributes {dimension_semantics = [#tpu.dimension_semantics<arbitrary>], iteration_bounds = array<i64: 5>, scalar_prefetch = 0 : i64, scratch_operands = 0 : i64, tpu.core_type = #tpu.core_type<tc>, window_params = [{transform_indices = @transform_0, window_bounds = array<i64: 2000, 128>}, {transform_indices = @transform_1, window_bounds = array<i64: 2000, 128>}, {transform_indices = @transform_2, window_bounds = array<i64: 2, 2000, 128>}, {transform_indices = @transform_3, window_bounds = array<i64: 2000, 1>}, {pipeline_mode = #tpu.pipeline_mode<synchronous>, transform_indices = @transform_4, window_bounds = array<i64: 128, 128>}, {pipeline_mode = #tpu.pipeline_mode<synchronous>, transform_indices = @transform_5, window_bounds = array<i64: 1, 128>}, {transform_indices = @transform_6, window_bounds = array<i64: 2000, 128>}]} {
    %get3A = arith.constant 0 : index
    %get3A_0 = arith.constant 0 : index
    %get3A_1 = vector.load %arg4[%get3A, %get3A_0] : memref<2000x1xf32, #tpu.memory_space<vmem>>, vector<2000x1xf32>
    %add3A = arith.constant 1.000000e+00 : f32
    %add3A_2 = vector.broadcast %add3A : f32 to vector<2000x1xf32>
    %add3A_3 = arith.addf %get3A_1, %add3A_2 : vector<2000x1xf32>
    %rsqrt3A = math.rsqrt %add3A_3 : vector<2000x1xf32>
    %get3A_4 = arith.constant 0 : index
    %get3A_5 = arith.constant 0 : index
    %get3A_6 = arith.constant 0 : index
    %get3A_7 = vector.load %arg3[%get3A_4, %get3A_5, %get3A_6] : memref<2x2000x128xf32, #tpu.memory_space<vmem>>, vector<1x2000x128xf32>
    %get3A_8 = vector.shape_cast %get3A_7 : vector<1x2000x128xf32> to vector<2000x128xf32>
    %get3A_9 = arith.constant 1 : index
    %get3A_10 = arith.constant 0 : index
    %get3A_11 = arith.constant 0 : index
    %get3A_12 = vector.load %arg3[%get3A_9, %get3A_10, %get3A_11] : memref<2x2000x128xf32, #tpu.memory_space<vmem>>, vector<1x2000x128xf32>
    %get3A_13 = vector.shape_cast %get3A_12 : vector<1x2000x128xf32> to vector<2000x128xf32>
    %add3A_14 = arith.addf %get3A_8, %get3A_13 : vector<2000x128xf32>
    %get3A_15 = arith.constant 0 : index
    %get3A_16 = arith.constant 0 : index
    %get3A_17 = vector.load %arg2[%get3A_15, %get3A_16] : memref<2000x128xf32, #tpu.memory_space<vmem>>, vector<2000x128xf32>
    %add3A_18 = arith.addf %add3A_14, %get3A_17 : vector<2000x128xf32>
    %mul3A = vector.broadcast %rsqrt3A : vector<2000x1xf32> to vector<2000x128xf32>
    %mul3A_19 = arith.mulf %add3A_18, %mul3A : vector<2000x128xf32>
    %get3A_20 = arith.constant 0 : index
    %get3A_21 = arith.constant 0 : index
    %get3A_22 = vector.load %arg5[%get3A_20, %get3A_21] : memref<128x128xf32, #tpu.memory_space<vmem>>, vector<128x128xf32>
    %dot_general3A = arith.constant dense<0.000000e+00> : vector<2000x128xf32>
    %dot_general3A_23 = tpu.matmul %mul3A_19, %get3A_22, %dot_general3A {dimension_numbers = #tpu.dot_dimension_numbers<[1], [0], [0], [1], [0, 0, 1, 1], [], []>, transpose_lhs_hint = false} : vector<2000x128xf32>, vector<128x128xf32>, vector<2000x128xf32> -> vector<2000x128xf32>
    %get3A_24 = arith.constant 0 : index
    %get3A_25 = arith.constant 0 : index
    %get3A_26 = vector.load %arg1[%get3A_24, %get3A_25] : memref<2000x128xf32, #tpu.memory_space<vmem>>, vector<2000x128xf32>
    %get3A_27 = arith.constant 0 : index
    %get3A_28 = arith.constant 0 : index
    %get3A_29 = vector.load %arg6[%get3A_27, %get3A_28] : memref<1x128xf32, #tpu.memory_space<vmem>>, vector<1x128xf32>
    %add3A_30 = vector.broadcast %get3A_29 : vector<1x128xf32> to vector<2000x128xf32>
    %add3A_31 = arith.addf %dot_general3A_23, %add3A_30 : vector<2000x128xf32>
    %max3A = arith.constant 0.000000e+00 : f32
    %max3A_32 = vector.broadcast %max3A : f32 to vector<2000x128xf32>
    %max3A_33 = arith.maximumf %add3A_31, %max3A_32 : vector<2000x128xf32>
    %add3A_34 = arith.addf %get3A_26, %max3A_33 : vector<2000x128xf32>
    %swap3A = arith.constant 0 : index
    %swap3A_35 = arith.constant 0 : index
    %swap3A_36 = vector.load %arg7[%swap3A, %swap3A_35] : memref<2000x128xf32, #tpu.memory_space<vmem>>, vector<2000x128xf32>
    tpu.vector_store %arg7[%swap3A, %swap3A_35], %add3A_34 {strides = array<i32>} : memref<2000x128xf32, #tpu.memory_space<vmem>>, vector<2000x128xf32>,
    return
  }
  func.func @transform_0(%arg0: i32) -> (i32, i32) {
    %c0_i32 = arith.constant 0 : i32
    %c0_i32_0 = arith.constant 0 : i32
    return %arg0, %c0_i32 : i32, i32
  }
  func.func @transform_1(%arg0: i32) -> (i32, i32) {
    %c0_i32 = arith.constant 0 : i32
    %c0_i32_0 = arith.constant 0 : i32
    return %arg0, %c0_i32 : i32, i32
  }
  func.func @transform_2(%arg0: i32) -> (i32, i32, i32) {
    %c0_i32 = arith.constant 0 : i32
    %c0_i32_0 = arith.constant 0 : i32
    %c0_i32_1 = arith.constant 0 : i32
    return %c0_i32, %arg0, %c0_i32_0 : i32, i32, i32
  }
  func.func @transform_3(%arg0: i32) -> (i32, i32) {
    %c0_i32 = arith.constant 0 : i32
    %c0_i32_0 = arith.constant 0 : i32
    return %arg0, %c0_i32 : i32, i32
  }
  func.func @transform_4(%arg0: i32) -> (i32, i32) {
    %c0_i32 = arith.constant 0 : i32
    %c0_i32_0 = arith.constant 0 : i32
    %c0_i32_1 = arith.constant 0 : i32
    return %c0_i32, %c0_i32_0 : i32, i32
  }
  func.func @transform_5(%arg0: i32) -> (i32, i32) {
    %c0_i32 = arith.constant 0 : i32
    %c0_i32_0 = arith.constant 0 : i32
    %c0_i32_1 = arith.constant 0 : i32
    return %c0_i32, %c0_i32_0 : i32, i32
  }
  func.func @transform_6(%arg0: i32) -> (i32, i32) {
    %c0_i32 = arith.constant 0 : i32
    %c0_i32_0 = arith.constant 0 : i32
    return %arg0, %c0_i32 : i32, i32
  }
}

</mosaic_0001>

<sc_bundles>
// kernel: kernel.6.cloned.1.call-start
scs
__scs_entry_jumppad:
0x0: {  	(pc) =	sbr.rel $0x88, $3  }
0x1: {  	(tag) =	ssettag $0x0;
	lr =	simm.s32 $0x1  }
0x2: {  	[smem:$0x3F9D] =	sst lr;
	_ =	strace $0xD0000000  }
0x3: {  	_ = 	snop  }
0x4: {  	_ = 	snop  }
0x5: {  	_ = 	snop  }
0x6: {  	_ = 	snop  }
0x7: {  	_ = 	snop  }
__scs_overlays_trampoline_lowered:
0x8: {  	[smem:$0x3FAC] =	sst s0  }
0x9: {  	[smem:$0x3FAD] =	sst s1  }
0xa: {  	[smem:$0x3FAE] =	sst s2  }
0xb: {  	[smem:$0x3FAF] =	sst s3  }
0xc: {  	[smem:$0x3FB0] =	sst s4  }
0xd: {  	[smem:$0x3FB1] =	sst s5  }
0xe: {  	[smem:$0x3FB2] =	sst s6  }
0xf: {  	[smem:$0x3FB3] =	sst s7  }
0x10: {  	[smem:$0x3FB4] =	sst s8  }
0x11: {  	[smem:$0x3FB5] =	sst s9;
	s0 =	simm.s32 @!p0 $0x0  }
0x12: {  	s1 =	sld [smem:$0x3F9B];
	s0 =	simm.s32 @p0 $0x1  }
0x13: {  	[smem:$0x3FB6] =	sst s0;
	s0 =	simm.s32 @!p1 $0x0  }
0x14: {  	s2 =	sld [smem:$0x3F9A];
	s0 =	simm.s32 @p1 $0x1  }
0x15: {  	[smem:$0x3FB7] =	sst s0;
	s0 =	simm.s32 @!p2 $0x0  }
0x16: {  	s3 =	sld [smem:$0x3FDB];
	s0 =	simm.s32 @p2 $0x1  }
0x17: {  	s4 =	simm.s32 $0x1BF5;
	[smem:$0x3FB9] =	sst s0  }
0x18: {  	s0 =	sld [smem:$0x3F9C];
	_ =	swait.ge [sflag:s4], $0x0  }
0x19: {  	s7 =	sld [smem:$0x3F9D]  }
0x1a: {  	s8 =	sadd.s32 $0xFFFFE003, lr  }
0x1b: {  	s9 =	sadd.s32 $0xFFFFFEF7, lr;
	s5 =	simm.s32 $0xFFFFFFFF;
	p2 =	slt.u32 s8, $0xFFFFF086  }
0x1c: {  	p1 =	slt.u32 s9, $0xF7A;
	s5 =	simm.s32 @!p2 $0x0  }
0x1d: {  	s5 =	simm.s32 @p1 $0x1;
	p0 =	seq.s32 s7, s2  }
0x1e: {  	s7 =	smul.u32 @!p0 $0xF7A, s2;
	p2 =	seq.s32 @!p0 s5, $0x0  }
0x1f: {  	s9 =	smul.u32 $0xF7A, s1;
	s8 =	simm.s32 @!p0 $0x1BF5;
	p2 =	por !p2, p0  }
0x20: {  	[sflag:s8] =	ssyncset.s32 @!p0 $0xFFFFF086;
	s6 =	sadd.s32 @!p0 s3, s7;
	s7 =	simm.s32 @!p0 $0x108  }
0x21: {  	s3 =	sadd.s32 s3, s9;
	s6 =	sadd.s32 @!p0 $0x88, s6;
	s7 =	simm.s32 @p2 $0x1082  }
0x22: {  	[simem:s7], [sflag:s8] =	dma.local @!p0 [hbm:s6], $0xF7A  }
0x23: {  	s9 =	sor.u32 $0xD0000000, s2;
	s6 =	simm.s32 $0x108;
	_ =	swait.ge @!p0 [sflag:s8], $0x0  }
0x24: {  	s3 =	sadd.s32 $0x88, s3;
	s6 =	simm.s32 @!p1 $0x1082;
	[sflag:s4] =	ssyncset.s32 $0xFFFFF086  }
0x25: {  	[simem:s6], [sflag:s4] =	dma.local [hbm:s3], $0xF7A  }
0x26: {  	[smem:$0x3F9D] =	sst s1;
	(tag) =	ssettag s2;
	_ =	strace s9  }
0x27: {  	s1 =	sld [smem:$0x3FAD]  }
0x28: {  	s2 =	sld [smem:$0x3FAE]  }
0x29: {  	s4 =	sld [smem:$0x3FB0]  }
0x2a: {  	p0 =	seq.s32 s5, $0x0;
	s5 =	sld [smem:$0x3FB1]  }
0x2b: {  	s6 =	sld [smem:$0x3FB2]  }
0x2c: {  	s7 =	sld [smem:$0x3FB3]  }
0x2d: {  	s3 =	simm.s32 $0x108;
	s8 =	sld [smem:$0x3FB4]  }
0x2e: {  	s3 =	simm.s32 @!p0 $0x1082;
	s9 =	sld [smem:$0x3FB5]  }
0x2f: {  	lr =	sadd.s32 s0, s3;
	s0 =	sld [smem:$0x3FAC]  }
0x30: {  	s3 =	sld [smem:$0x3FAF]  }
0x31: {  	[smem:$0x3FB8] =	sst s10  }
0x32: {  	s10 =	sld [smem:$0x3FB6];
	_ =	sdelay $0x3  }
0x33: {  	p0 =	seq.s32 s10, $0x1;
	s10 =	sld [smem:$0x3FB8];
	_ =	sdelay $0x3  }
0x34: {  	[smem:$0x3FB8] =	sst s10  }
0x35: {  	s10 =	sld [smem:$0x3FB7];
	_ =	sdelay $0x3  }
0x36: {  	p1 =	seq.s32 s10, $0x1;
	s10 =	sld [smem:$0x3FB8];
	_ =	sdelay $0x3  }
0x37: {  	[smem:$0x3FB8] =	sst s10  }
0x38: {  	s10 =	sld [smem:$0x3FB9]  }
0x39: {  	_ = 	snop;
	(pc) =	sbr.ind lr, $3  }
0x3a: {  	_ = 	snop  }
0x3b: {  	_ = 	snop  }
0x3c: {  	p2 =	seq.s32 s10, $0x1;
	s10 =	sld [smem:$0x3FB8]  }
0x3d: {  	_ =	shalt  }
0x3e: {  	_ =	shalt  }
0x3f: {  	_ =	shalt  }
0x40: {  	_ =	shalt  }
0x41: {  	_ =	shalt  }
0x42: {  	_ =	shalt  }
0x43: {  	_ =	shalt  }
0x44: {  	_ =	shalt  }
0x45: {  	_ =	shalt  }
0x46: {  	_ =	shalt  }
0x47: {  	_ =	shalt  }
0x48: {  	_ =	shalt  }
0x49: {  	_ =	shalt  }
0x4a: {  	_ =	shalt  }
0x4b: {  	_ =	shalt  }
0x4c: {  	_ =	shalt  }
0x4d: {  	_ =	shalt  }
0x4e: {  	_ =	shalt  }
0x4f: {  	_ =	shalt  }
0x50: {  	_ =	shalt  }
0x51: {  	_ =	shalt  }
0x52: {  	_ =	shalt  }
0x53: {  	_ =	shalt  }
0x54: {  	_ =	shalt  }
0x55: {  	_ =	shalt  }
0x56: {  	_ =	shalt  }
0x57: {  	_ =	shalt  }
0x58: {  	_ =	shalt  }
0x59: {  	_ =	shalt  }
0x5a: {  	_ =	shalt  }
0x5b: {  	_ =	shalt  }
0x5c: {  	_ =	shalt  }
0x5d: {  	_ =	shalt  }
0x5e: {  	_ =	shalt  }
0x5f: {  	_ =	shalt  }
0x60: {  	_ =	shalt  }
0x61: {  	_ =	shalt  }
0x62: {  	_ =	shalt  }
0x63: {  	_ =	shalt  }
0x64: {  	_ =	shalt  }
0x65: {  	_ =	shalt  }
0x66: {  	_ =	shalt  }
0x67: {  	_ =	shalt  }
0x68: {  	_ =	shalt  }
0x69: {  	_ =	shalt  }
0x6a: {  	_ =	shalt  }
0x6b: {  	_ =	shalt  }
0x6c: {  	_ =	shalt  }
0x6d: {  	_ =	shalt  }
0x6e: {  	_ =	shalt  }
0x6f: {  	_ =	shalt  }
0x70: {  	_ =	shalt  }
0x71: {  	_ =	shalt  }
0x72: {  	_ =	shalt  }
0x73: {  	_ =	shalt  }
0x74: {  	_ =	shalt  }
0x75: {  	_ =	shalt  }
0x76: {  	_ =	shalt  }
0x77: {  	_ =	shalt  }
0x78: {  	_ =	shalt  }
0x79: {  	_ =	shalt  }
0x7a: {  	_ =	shalt  }
0x7b: {  	_ =	shalt  }
0x7c: {  	_ =	shalt  }
0x7d: {  	_ =	shalt  }
0x7e: {  	_ =	shalt  }
0x7f: {  	_ =	shalt  }
0x80: {  	_ =	shalt  }
0x81: {  	_ =	shalt  }
0x82: {  	_ =	shalt  }
0x83: {  	_ =	shalt  }
0x84: {  	_ =	shalt  }
0x85: {  	_ =	shalt  }
0x86: {  	_ =	shalt  }
0x87: {  	_ =	shalt  }
.Lfunc_end0:
.L_simem_size_0:
called_computation_lowered:
.L_overlay_start_0:
0x88: {  	s2 =	sld [smem:$0x3FD9]  }
0x89: {  	s3 =	sld [smem:$0x3FFE];
	_ =	sdelay $0x1  }
0x8a: {  	s1 =	srdreg.scid  }
0x8b: {  	s0 =	sand.u32 $0x1, s1  }
0x8c: {  	s17 =	sshll.u32 s0, $0xA;
	s2 =	sadd.s32 s3, s2  }
0x8d: {  	s2 =	sadd.s32 s2, s17  }
0x8e: {  	[smem:$0x3FC4] =	sst s2  }
0x8f: {  	_ = 	snop  }
0x90: {  	s2 =	sld [smem:$0x3FD0];
	(tm) =	ssettm $0x1  }
0x91: {  	s18 =	sld [smem:$0x3FFB];
	_ =	sdelay $0x3  }
0x92: {  	_ =	strace s18  }
0x93: {  	s3 =	sld [smem:$0x3FFC];
	_ =	sdelay $0x3  }
0x94: {  	_ =	strace s3  }
0x95: {  	s3 =	sld [smem:$0x3FFD];
	_ =	sdelay $0x3  }
0x96: {  	_ =	strace s3  }
0x97: {  	_ =	strace $0x8FFFFFFF  }
0x98: {  	s19 =	sld [smem:$0x3FDB];
	_ =	sdelay $0x1  }
0x99: {  	s4 =	simm.s32 $_scs_section_size  }
0x9a: {  	s5 =	simm.s32 $_size__tile_overlayer_lowered;
	s6 =	simm.s32 $_tile_overlayer_lowered  }
0x9b: {  	s22 =	simm.s32 $0x1BFF;
	s21 =	sshll.u32 s6, $0x1;
	s3 =	sadd.s32 s4, s19  }
0x9c: {  	s7 =	simm.s32 $0x0;
	s20 =	sshll.u32 s5, $0x1;
	s5 =	sadd.s32 s21, s3  }
0x9d: {  	[timem:s7], [sflag:s22] =	dma.local [hbm:s5], s20  }
0x9e: {  	_ =	swait.ge [sflag:s22], s20  }
0x9f: {  	s4 =	ssub.s32 $0x0, s20;
	[sflag:s22] =	ssyncset.done $0x0  }
0xa0: {  	[sflag:s22] =	ssyncadd.s32 s4;
	_ =	sdelay $0x1  }
0xa1: {  	s23 =	simm.s32 $0x1B8B  }
0xa2: {  	_ =	swait.ge [sflag:s23], $0x1  }
0xa3: {  	[sflag:s23] =	ssyncset.done $0x0  }
0xa4: {  	s25 =	simm.s32 $0x1B8E;
	s24 =	sld [smem:$0x3FFE];
	[sflag:s23] =	ssyncadd.s32 $0xFFFFFFFF  }
0xa5: {  	s26 =	simm.s32 $execute0_lowered;
	[smem:$0x3FD2] =	sst s25  }
0xa6: {  	s5 =	sshll.u32 s26, $0x1;
	_ =	strace $0x80000046;
	[dreg:$0x1] =	wrdreg $0xFFFFFFFF  }
0xa7: {  	s28 =	simm.s32 $_size_execute0_lowered;
	s3 =	sadd.s32 s3, s5;
	[dreg:$0x0] =	wrdreg $0x0  }
0xa8: {  	s5 =	sshll.u32 s28, $0x1;
	[dreg:$0x2] =	wrdreg s3  }
0xa9: {  	[dreg:$0x3] =	wrdreg s5  }
0xaa: {  	[dreg:$0x4] =	wrdreg $0xC0  }
0xab: {  	_ =	task [dreg:s7], $0x5FFFF  }
0xac: {  	[dreg:$0x1] =	wrdreg $0xFFFFFFFF  }
0xad: {  	[dreg:$0x0] =	wrdreg $0x60  }
0xae: {  	[dreg:$0x2] =	wrdreg s24  }
0xaf: {  	[dreg:$0x3] =	wrdreg s2  }
0xb0: {  	[dreg:$0x4] =	wrdreg $0x9  }
0xb1: {  	_ =	task.clear_ibuf [dreg:s7], $0x5FFFF;
	_ =	strace $0x90000046  }
0xb2: {  	s29 =	simm.s32 $0x9;
	_ =	strace $0x80000048  }
0xb3: {  	_ =	swait.ge [sflag:s29], $0x1  }
0xb4: {  	[sflag:s29] =	ssyncadd.s32 $0xFFFFFFFF  }
0xb5: {  	_ =	strace $0x90000048  }
0xb6: {  	_ =	sfence  }
0xb7: {  	s30 =	sld [smem:$0x0];
	_ =	sdelay $0x2  }
0xb8: {  	s31 =	sshll.u32 s1, $0xD;
	s1 =	sshrl.u32 s1, $0x2  }
0xb9: {  	s3 =	sand.u32 $0x4000, s31;
	s1 =	sadd.s32 s1, s30  }
0xba: {  	s0 =	sor.u32 s3, s0;
	s1 =	sshll.u32 s1, $0x11  }
0xbb: {  	s0 =	sor.u32 s1, s0  }
0xbc: {  	s0 =	sadd.s32 $0x8F2B, s0  }
0xbd: {  	[sflag:s0] =	ssyncadd.remote.s32 $0x1  }
0xbe: {  	_ =	sfence.sel $0xFFFF  }
0xbf: {  	[dreg:$0x0] =	wrdreg $0xFFFFFFFF;
	(pc) =	sbr.abs _section_cstart, $3  }
0xc0: {  	[dreg:$0x1] =	wrdreg $0xFFFFFFFF  }
0xc1: {  	_ =	task.clear_ibuf [dreg:s7], $0x2FFFF;
	_ =	strace $0x9FFFFFFF  }
0xc2: {  	(tm) =	ssettm $0x7FFFFFFF  }
0xc3: {  	_ =	shalt  }
tec
execute0_lowered:
.L_overlay_start_1:
0x0: {  	(tag) =	ssettag $0x1  }
0x1: {  	s0 =	srdreg.scid;
	s3 =	rddreg [dreg:$0x0]  }
0x2: {  	s5 =	rddreg [dreg:$0x1];
	s1 =	stileid.u32  }
0x3: {  	s9 =	simm.s32 $0x400;
	s10 =	simm.s32 $0x0;
	s4 =	sand.u32 $0x1, s0  }
0x4: {  	s0 =	rddreg [dreg:$0x2];
	s8 =	sshll.u32 s1, $0x7;
	s2 =	sshll.u32 s4, $0x4  }
0x5: {  	s8 =	sand.u32 $0x380, s8;
	s4 =	ssub.s32 $0x2, s4;
	s6 =	sor.u32 s1, s2  }
0x6: {  	v14 =	vlaneseq.u32;
	v15 =	vimm.f32 $0.0e+00;
	s2 =	simm.s32 $0x0;
	s7 =	smul.u32 $0x2710, s6;
	s6 =	sshrl.u32 s6, $0x3  }
0x7: {  	v0 =	vor.u32 $0x2710, v14;
	v1 =	vor.u32 $0x2720, v14;
	v2 =	vor.u32 $0x2730, v14;
	s30 =	sshrl.u32 s4, $0x1;
	[smem:$0x7FF] =	sst s2;
	s6 =	smul.u32 $0x14000, s6  }
0x8: {  	v3 =	vor.u32 $0x2740, v14;
	v4 =	vor.u32 $0x2750, v14;
	v5 =	vor.u32 $0x2760, v14;
	s31 =	ssub.s32 s4, s30;
	_ =	strace $0x80000047;
	s7 =	sshrl.u32 s7, $0x3  }
0x9: {  	v6 =	vor.u32 $0x2770, v14;
	v7 =	vor.u32 $0x2780, v14;
	v8 =	vor.u32 $0x2790, v14;
	s6 =	sor.u32 s8, s6;
	s3 =	sadd.s32 s3, s7;
	s7 =	simm.s32 $0x2800  }
0xa: {  	v9 =	vor.u32 $0x27A0, v14;
	v10 =	vor.u32 $0x27B0, v14;
	v11 =	vor.u32 $0x27C0, v14;
	s8 =	simm.s32 $0x80;
	s6 =	sshrl.u32 s6, $0x3;
	s3 =	sadd.s32 $0xB840, s3  }
0xb: {  	v12 =	vor.u32 $0x27D0, v14;
	v13 =	vor.u32 $0x27E0, v14;
	v14 =	vor.u32 $0x27F0, v14;
	s4 =	sadd.s32 s5, s6;
	s5 =	smax.u32 s31, $0x1;
	s6 =	simm.s32 $0x1  }
.LBB2_1:
0xc: {  	[tilespmem:s2], [sflag:$0x1] =	stream.linear.gather [hbm4b:s3+s2], $0x2710, $0x38;
	[tilespmem:$0x5000] =	vst v63  }
0xd: {  	_ =	swait.ge [sflag:s6], $0x2710  }
0xe: {  	[sflag:s6] =	ssyncset.done $0x0  }
0xf: {  	[sflag:s6] =	ssyncadd.s32 $0xFFFFD8F0  }
0x10: {  	[tilespmem:$0x2710] =	vst v0  }
0x11: {  	[tilespmem:$0x2720] =	vst v1  }
0x12: {  	[tilespmem:$0x2730] =	vst v2  }
0x13: {  	[tilespmem:$0x2740] =	vst v3  }
0x14: {  	[tilespmem:$0x2750] =	vst v4  }
0x15: {  	[tilespmem:$0x2760] =	vst v5  }
0x16: {  	[tilespmem:$0x2770] =	vst v6  }
0x17: {  	[tilespmem:$0x2780] =	vst v7  }
0x18: {  	[tilespmem:$0x2790] =	vst v8  }
0x19: {  	[tilespmem:$0x27A0] =	vst v9  }
0x1a: {  	[tilespmem:$0x27B0] =	vst v10  }
0x1b: {  	[tilespmem:$0x27C0] =	vst v11  }
0x1c: {  	[tilespmem:$0x27D0] =	vst v12  }
0x1d: {  	[tilespmem:$0x27E0] =	vst v13  }
0x1e: {  	s11 =	simm.s32 $0x0;
	s12 =	simm.s32 $0x200;
	[tilespmem:$0x27F0] =	vst v14  }
.LBB2_2:
0x1f: {  	p0 =	sne.s32 s12, $0x9E00;
	[tilespmem:s11+$0x2870] =	vst v15  }
0x20: {  	[tilespmem:s11+$0x2800] =	vst v15  }
0x21: {  	[tilespmem:s11+$0x2810] =	vst v15  }
.Ltmp0:
0x22: {  	[tilespmem:s11+$0x2820] =	vst v15;
	(pc) =	sbr.rel @p0 .LBB2_2-.Ltmp0, $4  }
0x23: {  	[tilespmem:s11+$0x2830] =	vst v15  }
0x24: {  	[tilespmem:s11+$0x2840] =	vst v15  }
0x25: {  	[tilespmem:s11+$0x2850] =	vst v15  }
0x26: {  	[tilespmem:s11+$0x2860] =	vst v15;
	s11 =	sshra.s32 s12, $0x2;
	s12 =	sadd.s32 $0x200, s12  }
0x27: {  	[tilespmem:s11+$0x2870] =	vst v15  }
0x28: {  	[tilespmem:s11+$0x2800] =	vst v15  }
0x29: {  	[tilespmem:s11+$0x2810] =	vst v15  }
0x2a: {  	[tilespmem:s11+$0x2820] =	vst v15  }
0x2b: {  	[tilespmem:s11+$0x2830] =	vst v15  }
0x2c: {  	[tilespmem:s11+$0x2840] =	vst v15  }
0x2d: {  	[tilespmem:s11+$0x2850] =	vst v15  }
0x2e: {  	[tilespmem:s11+$0x2860] =	vst v15;
	s11 =	simm.s32 $0x0  }
.LBB2_4:
0x2f: {  	s12 =	sshra.s32 s11, $0x2  }
0x30: {  	v16 =	vld [tilespmem:s12+$0x0];
	_ =	sdelay $0x4  }
0x31: {  	(xrf1) =	vunique.msk.u32 $0xffff, v16;
	_ =	sdelay $0xd  }
0x32: {  	_, v17, vm0 =	vpop (xrf1);
	_ =	sdelay $0x3  }
0x33: {  	v17 =	vcvt.s32.f32 v17;
	_ =	sdelay $0x1  }
0x34: {  	[tilespmem:v16+s7+$0x0] =	vst.idx.add.f32.msk vm0, v17  }
0x35: {  	v16 =	vld [tilespmem:s12+$0x10];
	_ =	sdelay $0x4  }
0x36: {  	(xrf1) =	vunique.msk.u32 $0xffff, v16;
	_ =	sdelay $0xd  }
0x37: {  	_, v17, vm0 =	vpop (xrf1);
	_ =	sdelay $0x3  }
0x38: {  	v17 =	vcvt.s32.f32 v17;
	_ =	sdelay $0x1  }
0x39: {  	[tilespmem:v16+s7+$0x0] =	vst.idx.add.f32.msk vm0, v17  }
0x3a: {  	v16 =	vld [tilespmem:s12+$0x20];
	_ =	sdelay $0x4  }
0x3b: {  	(xrf1) =	vunique.msk.u32 $0xffff, v16;
	_ =	sdelay $0xd  }
0x3c: {  	_, v17, vm0 =	vpop (xrf1);
	_ =	sdelay $0x3  }
0x3d: {  	v17 =	vcvt.s32.f32 v17;
	_ =	sdelay $0x1  }
0x3e: {  	[tilespmem:v16+s7+$0x0] =	vst.idx.add.f32.msk vm0, v17  }
0x3f: {  	v16 =	vld [tilespmem:s12+$0x30];
	_ =	sdelay $0x4  }
0x40: {  	(xrf1) =	vunique.msk.u32 $0xffff, v16;
	_ =	sdelay $0xd  }
0x41: {  	_, v17, vm0 =	vpop (xrf1)  }
0x42: {  	p0 =	sne.s32 s11, $0x9F00  }
.Ltmp1:
0x43: {  	_ = 	snop;
	(pc) =	sbr.rel @p0 .LBB2_4-.Ltmp1, $3  }
0x44: {  	_ = 	snop  }
0x45: {  	v17 =	vcvt.s32.f32 v17;
	_ =	sdelay $0x1  }
0x46: {  	s11 =	sadd.s32 $0x100, s11;
	[tilespmem:v16+s7+$0x0] =	vst.idx.add.f32.msk vm0, v17  }
0x47: {  	s10 =	sadd.s32 $0x1, s10  }
0x48: {  	p0 =	sne.s32 s10, s5  }
.Ltmp2:
0x49: {  	_ = 	snop;
	(pc) =	sbr.rel @p0 .LBB2_1-.Ltmp2, $4  }
0x4a: {  	[hbm4b:s4+s8] =	stream.strided.scatter [tilespmem:s7], [sflag:$0x1], $0x2800, s9, s8, $0x38;
	[tilespmem:$0x5000] =	vst v63  }
0x4b: {  	_ =	swait.ge [sflag:s6], $0x2800  }
0x4c: {  	[sflag:s6] =	ssyncset.done $0x0  }
0x4d: {  	[sflag:s6] =	ssyncadd.s32 $0xFFFFD800  }
0x4e: {  	_ =	sfence.sel $0x180000  }
0x4f: {  	[bflag:$0x0] =	sbarrier.arrive $0xFFFF  }
0x50: {  	p0 =	sne.s32 s1, $0x0;
	_ =	strace $0x90000047  }
0x51: {  	s0 =	sadd.s32 @!p0 $0x100000, s0;
	[bflag:$0x2] =	sbarrier.arrive $0xFFFF  }
0x52: {  	[sflag:s0] =	ssyncadd.tile.s32 @!p0 $0x1;
	_ =	shalt  }
.Lfunc_end2:
_tile_overlayer_lowered:
.L_overlay_start_2:
0x53: {  	(tag) =	ssettag $0x2  }
0x54: {  	s0 =	rddreg [dreg:$0x0];
	s2 =	stileid.u32  }
0x55: {  	s1 =	rddreg [dreg:$0x1];
	p0 =	sne.s32 s2, $0x0  }
0x56: {  	s3 =	rddreg [dreg:$0x2];
	[bflag:$0x3] =	sbarrier.arrive $0xFFFF;
	s2 =	simm.s32 @!p0 $0x1C01  }
0x57: {  	[timem:s3], [sflag:s2] =	dma.local @!p0 [hbm:s0], s1  }
0x58: {  	s0 =	simm.s32 @!p0 $0x1  }
0x59: {  	_ =	swait.ge @!p0 [sflag:s0], s1  }
0x5a: {  	s1 =	ssub.s32 @!p0 $0x0, s1;
	[sflag:s0] =	ssyncset.done @!p0 $0x0  }
0x5b: {  	[sflag:s0] =	ssyncadd.s32 @!p0 s1  }
0x5c: {  	[bflag:$0x3] =	sbarrier.arrive $0xFFFF  }
0x5d: {  	_ =	shalt  }

// kernel: kernel.9.cloned.1.call-start
scs
__scs_entry_jumppad:
0x0: {  	(pc) =	sbr.rel $0x88, $3  }
0x1: {  	(tag) =	ssettag $0x0;
	lr =	simm.s32 $0x1  }
0x2: {  	[smem:$0x3F9D] =	sst lr;
	_ =	strace $0xD0000000  }
0x3: {  	_ = 	snop  }
0x4: {  	_ = 	snop  }
0x5: {  	_ = 	snop  }
0x6: {  	_ = 	snop  }
0x7: {  	_ = 	snop  }
__scs_overlays_trampoline_lowered:
0x8: {  	[smem:$0x3FAC] =	sst s0  }
0x9: {  	[smem:$0x3FAD] =	sst s1  }
0xa: {  	[smem:$0x3FAE] =	sst s2  }
0xb: {  	[smem:$0x3FAF] =	sst s3  }
0xc: {  	[smem:$0x3FB0] =	sst s4  }
0xd: {  	[smem:$0x3FB1] =	sst s5  }
0xe: {  	[smem:$0x3FB2] =	sst s6  }
0xf: {  	[smem:$0x3FB3] =	sst s7  }
0x10: {  	[smem:$0x3FB4] =	sst s8  }
0x11: {  	[smem:$0x3FB5] =	sst s9;
	s0 =	simm.s32 @!p0 $0x0  }
0x12: {  	s1 =	sld [smem:$0x3F9B];
	s0 =	simm.s32 @p0 $0x1  }
0x13: {  	[smem:$0x3FB6] =	sst s0;
	s0 =	simm.s32 @!p1 $0x0  }
0x14: {  	s2 =	sld [smem:$0x3F9A];
	s0 =	simm.s32 @p1 $0x1  }
0x15: {  	[smem:$0x3FB7] =	sst s0;
	s0 =	simm.s32 @!p2 $0x0  }
0x16: {  	s3 =	sld [smem:$0x3FDB];
	s0 =	simm.s32 @p2 $0x1  }
0x17: {  	s4 =	simm.s32 $0x1BF5;
	[smem:$0x3FB9] =	sst s0  }
0x18: {  	s0 =	sld [smem:$0x3F9C];
	_ =	swait.ge [sflag:s4], $0x0  }
0x19: {  	s7 =	sld [smem:$0x3F9D]  }
0x1a: {  	s8 =	sadd.s32 $0xFFFFE003, lr  }
0x1b: {  	s9 =	sadd.s32 $0xFFFFFEF7, lr;
	s5 =	simm.s32 $0xFFFFFFFF;
	p2 =	slt.u32 s8, $0xFFFFF086  }
0x1c: {  	p1 =	slt.u32 s9, $0xF7A;
	s5 =	simm.s32 @!p2 $0x0  }
0x1d: {  	s5 =	simm.s32 @p1 $0x1;
	p0 =	seq.s32 s7, s2  }
0x1e: {  	s7 =	smul.u32 @!p0 $0xF7A, s2;
	p2 =	seq.s32 @!p0 s5, $0x0  }
0x1f: {  	s9 =	smul.u32 $0xF7A, s1;
	s8 =	simm.s32 @!p0 $0x1BF5;
	p2 =	por !p2, p0  }
0x20: {  	[sflag:s8] =	ssyncset.s32 @!p0 $0xFFFFF086;
	s6 =	sadd.s32 @!p0 s3, s7;
	s7 =	simm.s32 @!p0 $0x108  }
0x21: {  	s3 =	sadd.s32 s3, s9;
	s6 =	sadd.s32 @!p0 $0x88, s6;
	s7 =	simm.s32 @p2 $0x1082  }
0x22: {  	[simem:s7], [sflag:s8] =	dma.local @!p0 [hbm:s6], $0xF7A  }
0x23: {  	s9 =	sor.u32 $0xD0000000, s2;
	s6 =	simm.s32 $0x108;
	_ =	swait.ge @!p0 [sflag:s8], $0x0  }
0x24: {  	s3 =	sadd.s32 $0x88, s3;
	s6 =	simm.s32 @!p1 $0x1082;
	[sflag:s4] =	ssyncset.s32 $0xFFFFF086  }
0x25: {  	[simem:s6], [sflag:s4] =	dma.local [hbm:s3], $0xF7A  }
0x26: {  	[smem:$0x3F9D] =	sst s1;
	(tag) =	ssettag s2;
	_ =	strace s9  }
0x27: {  	s1 =	sld [smem:$0x3FAD]  }
0x28: {  	s2 =	sld [smem:$0x3FAE]  }
0x29: {  	s4 =	sld [smem:$0x3FB0]  }
0x2a: {  	p0 =	seq.s32 s5, $0x0;
	s5 =	sld [smem:$0x3FB1]  }
0x2b: {  	s6 =	sld [smem:$0x3FB2]  }
0x2c: {  	s7 =	sld [smem:$0x3FB3]  }
0x2d: {  	s3 =	simm.s32 $0x108;
	s8 =	sld [smem:$0x3FB4]  }
0x2e: {  	s3 =	simm.s32 @!p0 $0x1082;
	s9 =	sld [smem:$0x3FB5]  }
0x2f: {  	lr =	sadd.s32 s0, s3;
	s0 =	sld [smem:$0x3FAC]  }
0x30: {  	s3 =	sld [smem:$0x3FAF]  }
0x31: {  	[smem:$0x3FB8] =	sst s10  }
0x32: {  	s10 =	sld [smem:$0x3FB6];
	_ =	sdelay $0x3  }
0x33: {  	p0 =	seq.s32 s10, $0x1;
	s10 =	sld [smem:$0x3FB8];
	_ =	sdelay $0x3  }
0x34: {  	[smem:$0x3FB8] =	sst s10  }
0x35: {  	s10 =	sld [smem:$0x3FB7];
	_ =	sdelay $0x3  }
0x36: {  	p1 =	seq.s32 s10, $0x1;
	s10 =	sld [smem:$0x3FB8];
	_ =	sdelay $0x3  }
0x37: {  	[smem:$0x3FB8] =	sst s10  }
0x38: {  	s10 =	sld [smem:$0x3FB9]  }
0x39: {  	_ = 	snop;
	(pc) =	sbr.ind lr, $3  }
0x3a: {  	_ = 	snop  }
0x3b: {  	_ = 	snop  }
0x3c: {  	p2 =	seq.s32 s10, $0x1;
	s10 =	sld [smem:$0x3FB8]  }
0x3d: {  	_ =	shalt  }
0x3e: {  	_ =	shalt  }
0x3f: {  	_ =	shalt  }
0x40: {  	_ =	shalt  }
0x41: {  	_ =	shalt  }
0x42: {  	_ =	shalt  }
0x43: {  	_ =	shalt  }
0x44: {  	_ =	shalt  }
0x45: {  	_ =	shalt  }
0x46: {  	_ =	shalt  }
0x47: {  	_ =	shalt  }
0x48: {  	_ =	shalt  }
0x49: {  	_ =	shalt  }
0x4a: {  	_ =	shalt  }
0x4b: {  	_ =	shalt  }
0x4c: {  	_ =	shalt  }
0x4d: {  	_ =	shalt  }
0x4e: {  	_ =	shalt  }
0x4f: {  	_ =	shalt  }
0x50: {  	_ =	shalt  }
0x51: {  	_ =	shalt  }
0x52: {  	_ =	shalt  }
0x53: {  	_ =	shalt  }
0x54: {  	_ =	shalt  }
0x55: {  	_ =	shalt  }
0x56: {  	_ =	shalt  }
0x57: {  	_ =	shalt  }
0x58: {  	_ =	shalt  }
0x59: {  	_ =	shalt  }
0x5a: {  	_ =	shalt  }
0x5b: {  	_ =	shalt  }
0x5c: {  	_ =	shalt  }
0x5d: {  	_ =	shalt  }
0x5e: {  	_ =	shalt  }
0x5f: {  	_ =	shalt  }
0x60: {  	_ =	shalt  }
0x61: {  	_ =	shalt  }
0x62: {  	_ =	shalt  }
0x63: {  	_ =	shalt  }
0x64: {  	_ =	shalt  }
0x65: {  	_ =	shalt  }
0x66: {  	_ =	shalt  }
0x67: {  	_ =	shalt  }
0x68: {  	_ =	shalt  }
0x69: {  	_ =	shalt  }
0x6a: {  	_ =	shalt  }
0x6b: {  	_ =	shalt  }
0x6c: {  	_ =	shalt  }
0x6d: {  	_ =	shalt  }
0x6e: {  	_ =	shalt  }
0x6f: {  	_ =	shalt  }
0x70: {  	_ =	shalt  }
0x71: {  	_ =	shalt  }
0x72: {  	_ =	shalt  }
0x73: {  	_ =	shalt  }
0x74: {  	_ =	shalt  }
0x75: {  	_ =	shalt  }
0x76: {  	_ =	shalt  }
0x77: {  	_ =	shalt  }
0x78: {  	_ =	shalt  }
0x79: {  	_ =	shalt  }
0x7a: {  	_ =	shalt  }
0x7b: {  	_ =	shalt  }
0x7c: {  	_ =	shalt  }
0x7d: {  	_ =	shalt  }
0x7e: {  	_ =	shalt  }
0x7f: {  	_ =	shalt  }
0x80: {  	_ =	shalt  }
0x81: {  	_ =	shalt  }
0x82: {  	_ =	shalt  }
0x83: {  	_ =	shalt  }
0x84: {  	_ =	shalt  }
0x85: {  	_ =	shalt  }
0x86: {  	_ =	shalt  }
0x87: {  	_ =	shalt  }
.Lfunc_end0:
.L_simem_size_0:
called_computation.1_lowered:
.L_overlay_start_0:
0x88: {  	s2 =	sld [smem:$0x3FD9]  }
0x89: {  	s3 =	sld [smem:$0x3FFE];
	_ =	sdelay $0x1  }
0x8a: {  	s1 =	srdreg.scid  }
0x8b: {  	s0 =	sand.u32 $0x1, s1  }
0x8c: {  	s17 =	sshll.u32 s0, $0xA;
	s2 =	sadd.s32 s3, s2  }
0x8d: {  	s2 =	sadd.s32 s2, s17  }
0x8e: {  	[smem:$0x3FC4] =	sst s2  }
0x8f: {  	_ = 	snop  }
0x90: {  	s2 =	sld [smem:$0x3FD0];
	(tm) =	ssettm $0x1  }
0x91: {  	s18 =	sld [smem:$0x3FFB];
	_ =	sdelay $0x3  }
0x92: {  	_ =	strace s18  }
0x93: {  	s3 =	sld [smem:$0x3FFC];
	_ =	sdelay $0x3  }
0x94: {  	_ =	strace s3  }
0x95: {  	s3 =	sld [smem:$0x3FFD];
	_ =	sdelay $0x3  }
0x96: {  	_ =	strace s3  }
0x97: {  	_ =	strace $0x8FFFFFFF  }
0x98: {  	s19 =	sld [smem:$0x3FDB];
	_ =	sdelay $0x1  }
0x99: {  	s4 =	simm.s32 $_scs_section_size  }
0x9a: {  	s5 =	simm.s32 $_size__tile_overlayer_lowered;
	s6 =	simm.s32 $_tile_overlayer_lowered  }
0x9b: {  	s22 =	simm.s32 $0x1BFF;
	s21 =	sshll.u32 s6, $0x1;
	s3 =	sadd.s32 s4, s19  }
0x9c: {  	s7 =	simm.s32 $0x0;
	s20 =	sshll.u32 s5, $0x1;
	s5 =	sadd.s32 s21, s3  }
0x9d: {  	[timem:s7], [sflag:s22] =	dma.local [hbm:s5], s20  }
0x9e: {  	_ =	swait.ge [sflag:s22], s20  }
0x9f: {  	s4 =	ssub.s32 $0x0, s20;
	[sflag:s22] =	ssyncset.done $0x0  }
0xa0: {  	[sflag:s22] =	ssyncadd.s32 s4;
	_ =	sdelay $0x1  }
0xa1: {  	s23 =	simm.s32 $0x1B8B  }
0xa2: {  	_ =	swait.ge [sflag:s23], $0x1  }
0xa3: {  	[sflag:s23] =	ssyncset.done $0x0  }
0xa4: {  	s25 =	simm.s32 $0x1B8E;
	s24 =	sld [smem:$0x3FFE];
	[sflag:s23] =	ssyncadd.s32 $0xFFFFFFFF  }
0xa5: {  	s26 =	simm.s32 $execute0_lowered;
	[smem:$0x3FD2] =	sst s25  }
0xa6: {  	s5 =	sshll.u32 s26, $0x1;
	_ =	strace $0x80000049;
	[dreg:$0x1] =	wrdreg $0xFFFFFFFF  }
0xa7: {  	s28 =	simm.s32 $_size_execute0_lowered;
	s3 =	sadd.s32 s3, s5;
	[dreg:$0x0] =	wrdreg $0x0  }
0xa8: {  	s5 =	sshll.u32 s28, $0x1;
	[dreg:$0x2] =	wrdreg s3  }
0xa9: {  	[dreg:$0x3] =	wrdreg s5  }
0xaa: {  	[dreg:$0x4] =	wrdreg $0xC0  }
0xab: {  	_ =	task [dreg:s7], $0x5FFFF  }
0xac: {  	[dreg:$0x1] =	wrdreg $0xFFFFFFFF  }
0xad: {  	[dreg:$0x0] =	wrdreg $0x60  }
0xae: {  	[dreg:$0x2] =	wrdreg s2  }
0xaf: {  	[dreg:$0x3] =	wrdreg s24  }
0xb0: {  	[dreg:$0x4] =	wrdreg $0xBC000  }
0xb1: {  	[dreg:$0x5] =	wrdreg $0x9  }
0xb2: {  	_ =	task.clear_ibuf [dreg:s7], $0x6FFFF;
	_ =	strace $0x90000049  }
0xb3: {  	s29 =	simm.s32 $0x9;
	_ =	strace $0x8000004B  }
0xb4: {  	_ =	swait.ge [sflag:s29], $0x1  }
0xb5: {  	[sflag:s29] =	ssyncadd.s32 $0xFFFFFFFF  }
0xb6: {  	_ =	strace $0x9000004B  }
0xb7: {  	_ =	sfence  }
0xb8: {  	s30 =	sld [smem:$0x0];
	_ =	sdelay $0x2  }
0xb9: {  	s31 =	sshll.u32 s1, $0xD;
	s1 =	sshrl.u32 s1, $0x2  }
0xba: {  	s3 =	sand.u32 $0x4000, s31;
	s1 =	sadd.s32 s1, s30  }
0xbb: {  	s0 =	sor.u32 s3, s0;
	s1 =	sshll.u32 s1, $0x11  }
0xbc: {  	s0 =	sor.u32 s1, s0  }
0xbd: {  	s0 =	sadd.s32 $0x8F2B, s0  }
0xbe: {  	[sflag:s0] =	ssyncadd.remote.s32 $0x1  }
0xbf: {  	_ =	sfence.sel $0xFFFF  }
0xc0: {  	[dreg:$0x0] =	wrdreg $0xFFFFFFFF;
	(pc) =	sbr.abs _section_cstart, $3  }
0xc1: {  	[dreg:$0x1] =	wrdreg $0xFFFFFFFF  }
0xc2: {  	_ =	task.clear_ibuf [dreg:s7], $0x2FFFF;
	_ =	strace $0x9FFFFFFF  }
0xc3: {  	(tm) =	ssettm $0x7FFFFFFF  }
tec
execute0_lowered:
.L_overlay_start_1:
0x0: {  	(tag) =	ssettag $0x1  }
0x1: {  	s2 =	rddreg [dreg:$0x0]  }
0x2: {  	s0 =	srdreg.scid;
	s7 =	rddreg [dreg:$0x1]  }
0x3: {  	s3 =	rddreg [dreg:$0x2];
	s5 =	sand.u32 $0x1, s0  }
0x4: {  	s4 =	simm.s32 $0x0;
	s0 =	stileid.u32;
	s9 =	smul.u32 $0x140000, s5  }
0x5: {  	[smem:$0x7FF] =	sst s4;
	s1 =	sshll.u32 s5, $0x4;
	s10 =	smul.u32 $0x14000, s0  }
0x6: {  	s5 =	ssub.s32 $0x2, s5;
	s31 =	smul.u32 $0x50000, s0;
	s6 =	sor.u32 s0, s1  }
0x7: {  	_ =	strace $0x8000004A;
	s26 =	sshrl.u32 s5, $0x1;
	s8 =	smul.u32 $0x4E2, s6  }
0x8: {  	s11 =	smul.u32 $0x2800, s6;
	s9 =	sadd.s32 s10, s9;
	s14 =	ssub.s32 s5, s26  }
0x9: {  	s30 =	sshll.u32 s6, $0x8;
	s6 =	sshrl.u32 s31, $0x2;
	s9 =	sshrl.u32 s9, $0x3  }
0xa: {  	s15 =	sor.u32 $0x10, s30;
	s16 =	sor.u32 $0x20, s30;
	s17 =	sor.u32 $0x30, s30  }
0xb: {  	s18 =	sor.u32 $0x40, s30;
	s19 =	sor.u32 $0x50, s30;
	s20 =	sor.u32 $0x60, s30  }
0xc: {  	s21 =	sor.u32 $0x70, s30;
	s22 =	sor.u32 $0x80, s30;
	s23 =	sor.u32 $0x90, s30  }
0xd: {  	s24 =	sor.u32 $0xA0, s30;
	s26 =	sor.u32 $0xC0, s30;
	s28 =	sor.u32 $0xD0, s30  }
0xe: {  	s29 =	sor.u32 $0xE0, s30;
	s6 =	sadd.s32 s6, s3;
	s14 =	smax.u32 s14, $0x1  }
0xf: {  	s8 =	sadd.s32 s8, s7;
	s25 =	sshrl.u32 s11, $0x3;
	s9 =	sadd.s32 s9, s7  }
0x10: {  	v14 =	vlaneseq.u32;
	s11 =	sadd.s32 $0x8000, s6;
	s12 =	sadd.s32 $0xC000, s6;
	s13 =	sadd.s32 $0x10000, s6  }
0x11: {  	v1 =	vor.u32 s15, v14;
	v2 =	vor.u32 s16, v14;
	v3 =	vor.u32 s17, v14;
	s15 =	simm.s32 $0x5;
	s16 =	simm.s32 $0x3C00;
	s17 =	simm.s32 $0x2800  }
0x12: {  	v4 =	vor.u32 s18, v14;
	v5 =	vor.u32 s19, v14;
	v6 =	vor.u32 s20, v14;
	s18 =	simm.s32 $0x80;
	s19 =	simm.s32 $0x7C00;
	s20 =	simm.s32 $0x1  }
0x13: {  	v7 =	vor.u32 s21, v14;
	v8 =	vor.u32 s22, v14;
	v9 =	vor.u32 s23, v14;
	s21 =	simm.s32 $0x2;
	s22 =	simm.s32 $0x3;
	s23 =	simm.s32 $0x4  }
0x14: {  	v10 =	vor.u32 s24, v14;
	v12 =	vor.u32 s26, v14;
	s24 =	simm.s32 $0x3B00;
	v13 =	vor.u32 s28, v14;
	s26 =	simm.s32 $0x1400;
	s28 =	simm.s32 $0x1480  }
0x15: {  	s10 =	sadd.s32 s25, s7;
	s5 =	sadd.s32 $0x1C00, s8;
	s25 =	sor.u32 $0xB0, s30  }
0x16: {  	v15 =	vimm.f32 $0.0e+00;
	s9 =	sadd.s32 $0x1F600, s9;
	s7 =	sadd.s32 $0x15600, s10;
	s8 =	sadd.s32 $0x15880, s10  }
0x17: {  	v0 =	vor.u32 s30, v14;
	s10 =	sadd.s32 $0x4000, s6;
	v11 =	vor.u32 s25, v14;
	s25 =	simm.s32 $0x3B80;
	v14 =	vor.u32 s29, v14;
	s29 =	simm.s32 $0x0  }
.LBB2_1:
0x18: {  	[tilespmem:s4], [sflag:$0x5] =	stream.linear.gather [hbm4b:s5+s4], $0x2710, $0x38;
	[tilespmem:$0x1FC00] =	vst v63  }
0x19: {  	_ =	swait.ge [sflag:s15], $0x2710  }
0x1a: {  	[sflag:s15] =	ssyncset.done $0x0  }
0x1b: {  	[sflag:s15] =	ssyncadd.s32 $0xFFFFD8F0  }
0x1c: {  	[tilespmem:$0x2710] =	vst v0  }
0x1d: {  	[tilespmem:$0x2720] =	vst v1  }
0x1e: {  	[tilespmem:$0x2730] =	vst v2  }
0x1f: {  	[tilespmem:$0x2740] =	vst v3  }
0x20: {  	[tilespmem:$0x2750] =	vst v4  }
0x21: {  	[tilespmem:$0x2760] =	vst v5  }
0x22: {  	[tilespmem:$0x2770] =	vst v6  }
0x23: {  	[tilespmem:$0x2780] =	vst v7  }
0x24: {  	[tilespmem:$0x2790] =	vst v8  }
0x25: {  	[tilespmem:$0x27A0] =	vst v9  }
0x26: {  	[tilespmem:$0x27B0] =	vst v10  }
0x27: {  	[tilespmem:$0x27C0] =	vst v11  }
0x28: {  	[tilespmem:$0x27D0] =	vst v12  }
0x29: {  	[tilespmem:$0x27E0] =	vst v13  }
0x2a: {  	s30 =	simm.s32 $0x0;
	s31 =	simm.s32 $0x200;
	[tilespmem:$0x27F0] =	vst v14  }
.LBB2_2:
0x2b: {  	p0 =	sne.s32 s31, $0xFE00;
	[tilespmem:s30+$0x3C70] =	vst v15  }
0x2c: {  	[tilespmem:s30+$0x3C00] =	vst v15  }
0x2d: {  	[tilespmem:s30+$0x3C10] =	vst v15  }
.Ltmp0:
0x2e: {  	[tilespmem:s30+$0x3C20] =	vst v15;
	(pc) =	sbr.rel @p0 .LBB2_2-.Ltmp0, $4  }
0x2f: {  	[tilespmem:s30+$0x3C30] =	vst v15  }
0x30: {  	[tilespmem:s30+$0x3C40] =	vst v15  }
0x31: {  	[tilespmem:s30+$0x3C50] =	vst v15  }
0x32: {  	[tilespmem:s30+$0x3C60] =	vst v15;
	s30 =	sshra.s32 s31, $0x2;
	s31 =	sadd.s32 $0x200, s31  }
0x33: {  	[tilespmem:s30+$0x3C70] =	vst v15  }
0x34: {  	[tilespmem:s30+$0x3C00] =	vst v15  }
0x35: {  	[tilespmem:s30+$0x3C10] =	vst v15  }
0x36: {  	[tilespmem:s30+$0x3C20] =	vst v15  }
0x37: {  	[tilespmem:s30+$0x3C30] =	vst v15  }
0x38: {  	[tilespmem:s30+$0x3C40] =	vst v15  }
0x39: {  	[tilespmem:s30+$0x3C50] =	vst v15  }
0x3a: {  	[tilespmem:s30+$0x3C60] =	vst v15  }
0x3b: {  	[spmem:s6] =	stream.linear.scatter [tilespmem:s16], [sflag:$0x5], $0x4000, $0x38;
	[tilespmem:$0x1FC00] =	vst v63  }
0x3c: {  	_ =	swait.ge [sflag:s15], $0x4000  }
0x3d: {  	[sflag:s15] =	ssyncset.done $0x0  }
0x3e: {  	[sflag:s15] =	ssyncadd.s32 $0xFFFFC000  }
0x3f: {  	[spmem:s10] =	stream.linear.scatter [tilespmem:s16], [sflag:$0x5], $0x4000, $0x38;
	[tilespmem:$0x1FC00] =	vst v63  }
0x40: {  	_ =	swait.ge [sflag:s15], $0x4000  }
0x41: {  	[sflag:s15] =	ssyncset.done $0x0  }
0x42: {  	[sflag:s15] =	ssyncadd.s32 $0xFFFFC000  }
0x43: {  	[spmem:s11] =	stream.linear.scatter [tilespmem:s16], [sflag:$0x5], $0x4000, $0x38;
	[tilespmem:$0x1FC00] =	vst v63  }
0x44: {  	_ =	swait.ge [sflag:s15], $0x4000  }
0x45: {  	[sflag:s15] =	ssyncset.done $0x0  }
0x46: {  	[sflag:s15] =	ssyncadd.s32 $0xFFFFC000  }
0x47: {  	[spmem:s12] =	stream.linear.scatter [tilespmem:s16], [sflag:$0x5], $0x4000, $0x38;
	[tilespmem:$0x1FC00] =	vst v63  }
0x48: {  	_ =	swait.ge [sflag:s15], $0x4000  }
0x49: {  	[sflag:s15] =	ssyncset.done $0x0  }
0x4a: {  	[sflag:s15] =	ssyncadd.s32 $0xFFFFC000  }
0x4b: {  	[spmem:s13] =	stream.linear.scatter [tilespmem:s16], [sflag:$0x5], $0x4000, $0x38;
	[tilespmem:$0x1FC00] =	vst v63  }
0x4c: {  	_ =	swait.ge [sflag:s15], $0x4000  }
0x4d: {  	[sflag:s15] =	ssyncset.done $0x0  }
0x4e: {  	[sflag:s15] =	ssyncadd.s32 $0xFFFFC000  }
0x4f: {  	s30 =	simm.s32 $0x0;
	[bflag:$0x0] =	sbarrier.arrive $0xFFFF  }
0x50: {  	[tilespmem:s17], [sflag:$0x5] =	stream.linear.gather [hbm4b:s7+s30], $0x1400, $0x38;
	[tilespmem:$0x1FC00] =	vst v63  }
0x51: {  	_ =	swait.ge [sflag:s15], $0x1400  }
0x52: {  	[sflag:s15] =	ssyncset.done $0x0  }
0x53: {  	[sflag:s15] =	ssyncadd.s32 $0xFFFFEC00  }
0x54: {  	[tilespmem:s16], [sflag:$0x1] =	stream.indirect.gather [hbm4b:s2+s18], $0x80, s30, s18, $0xb8;
	[tilespmem:$0x1FC00] =	vst v63  }
0x55: {  	_ = 	snop  }
0x56: {  	[tilespmem:s19], [sflag:$0x2] =	stream.indirect.gather [hbm4b:s2+s18], $0x80, s18, s18, $0xb8;
	[tilespmem:$0x1FC00] =	vst v63  }
0x57: {  	_ =	swait.ge [sflag:s20], $0x4000  }
0x58: {  	[sflag:s20] =	ssyncset.done $0x0  }
0x59: {  	s30 =	simm.s32 $0x2800;
	[sflag:s20] =	ssyncadd.s32 $0xFFFFC000  }
0x5a: {  	[spmem:s3] =	stream.indirect.scatter.add.f32 [tilespmem:s16], [sflag:$0x3], $0x80, s30, s18, $0xb8;
	[tilespmem:$0x1FC00] =	vst v63  }
0x5b: {  	_ =	swait.ge [sflag:s21], $0x4000  }
0x5c: {  	[sflag:s21] =	ssyncset.done $0x0  }
0x5d: {  	s30 =	simm.s32 $0x2880;
	[sflag:s21] =	ssyncadd.s32 $0xFFFFC000  }
0x5e: {  	[spmem:s3] =	stream.indirect.scatter.add.f32 [tilespmem:s19], [sflag:$0x4], $0x80, s30, s18, $0xb8;
	[tilespmem:$0x1FC00] =	vst v63  }
0x5f: {  	_ =	swait.ge [sflag:s22], $0x4000  }
0x60: {  	[sflag:s22] =	ssyncset.done $0x0  }
0x61: {  	s30 =	simm.s32 $0x100;
	[sflag:s22] =	ssyncadd.s32 $0xFFFFC000  }
0x62: {  	[tilespmem:s16], [sflag:$0x1] =	stream.indirect.gather [hbm4b:s2+s18], $0x80, s30, s18, $0xb8;
	[tilespmem:$0x1FC00] =	vst v63  }
0x63: {  	_ =	swait.ge [sflag:s23], $0x4000  }
0x64: {  	[sflag:s23] =	ssyncset.done $0x0  }
0x65: {  	s31 =	simm.s32 $0x180;
	s30 =	simm.s32 $0x400;
	[sflag:s23] =	ssyncadd.s32 $0xFFFFC000  }
.LBB2_4:
0x66: {  	[tilespmem:s19], [sflag:$0x2] =	stream.indirect.gather [hbm4b:s2+s18], $0x80, s31, s18, $0xb8;
	[tilespmem:$0x1FC00] =	vst v63  }
0x67: {  	s31 =	smov.u32 s30  }
0x68: {  	p0 =	sne.s32 s30, $0x4800;
	s30 =	sadd.s32 $0x400, s30;
	_ =	swait.ge [sflag:s20], $0x4000  }
0x69: {  	s31 =	sshra.s32 s31, $0x2;
	[sflag:s20] =	ssyncset.done $0x0  }
0x6a: {  	s1 =	sadd.s32 $0x2800, s31;
	[sflag:s20] =	ssyncadd.s32 $0xFFFFC000  }
0x6b: {  	[spmem:s3] =	stream.indirect.scatter.add.f32 [tilespmem:s16], [sflag:$0x3], $0x80, s1, s18, $0xb8;
	[tilespmem:$0x1FC00] =	vst v63  }
0x6c: {  	_ =	swait.ge [sflag:s21], $0x4000  }
0x6d: {  	[sflag:s21] =	ssyncset.done $0x0  }
0x6e: {  	s1 =	sadd.s32 $0x2880, s31;
	[sflag:s21] =	ssyncadd.s32 $0xFFFFC000  }
0x6f: {  	[spmem:s3] =	stream.indirect.scatter.add.f32 [tilespmem:s19], [sflag:$0x4], $0x80, s1, s18, $0xb8;
	[tilespmem:$0x1FC00] =	vst v63  }
0x70: {  	_ =	swait.ge [sflag:s22], $0x4000  }
0x71: {  	[sflag:s22] =	ssyncset.done $0x0  }
.Ltmp1:
0x72: {  	s1 =	sadd.s32 $0x100, s31;
	[sflag:s22] =	ssyncadd.s32 $0xFFFFC000;
	(pc) =	sbr.rel @p0 .LBB2_4-.Ltmp1, $4  }
0x73: {  	[tilespmem:s16], [sflag:$0x1] =	stream.indirect.gather [hbm4b:s2+s18], $0x80, s1, s18, $0xb8;
	[tilespmem:$0x1FC00] =	vst v63  }
0x74: {  	_ =	swait.ge [sflag:s23], $0x4000  }
0x75: {  	[sflag:s23] =	ssyncset.done $0x0  }
0x76: {  	s31 =	sadd.s32 $0x180, s31;
	[sflag:s23] =	ssyncadd.s32 $0xFFFFC000  }
0x77: {  	[tilespmem:s19], [sflag:$0x2] =	stream.indirect.gather [hbm4b:s2+s18], $0x80, s31, s18, $0xb8;
	[tilespmem:$0x1FC00] =	vst v63  }
0x78: {  	_ =	swait.ge [sflag:s20], $0x4000  }
0x79: {  	[sflag:s20] =	ssyncset.done $0x0  }
0x7a: {  	[sflag:s20] =	ssyncadd.s32 $0xFFFFC000  }
0x7b: {  	[spmem:s3] =	stream.indirect.scatter.add.f32 [tilespmem:s16], [sflag:$0x3], $0x80, s24, s18, $0xb8;
	[tilespmem:$0x1FC00] =	vst v63  }
0x7c: {  	_ =	swait.ge [sflag:s21], $0x4000  }
0x7d: {  	[sflag:s21] =	ssyncset.done $0x0  }
0x7e: {  	[sflag:s21] =	ssyncadd.s32 $0xFFFFC000  }
0x7f: {  	[spmem:s3] =	stream.indirect.scatter.add.f32 [tilespmem:s19], [sflag:$0x4], $0x80, s25, s18, $0xb8;
	[tilespmem:$0x1FC00] =	vst v63  }
0x80: {  	_ =	swait.ge [sflag:s22], $0x4000  }
0x81: {  	[sflag:s22] =	ssyncset.done $0x0  }
0x82: {  	[sflag:s22] =	ssyncadd.s32 $0xFFFFC000  }
0x83: {  	_ =	swait.ge [sflag:s23], $0x4000  }
0x84: {  	[sflag:s23] =	ssyncset.done $0x0  }
0x85: {  	s1 =	simm.s32 $0x0;
	[sflag:s23] =	ssyncadd.s32 $0xFFFFC000  }
0x86: {  	[tilespmem:s17], [sflag:$0x5] =	stream.linear.gather [hbm4b:s8+s1], $0x1400, $0x38;
	[tilespmem:$0x1FC00] =	vst v63  }
0x87: {  	_ =	swait.ge [sflag:s15], $0x1400  }
0x88: {  	[sflag:s15] =	ssyncset.done $0x0  }
0x89: {  	[sflag:s15] =	ssyncadd.s32 $0xFFFFEC00  }
0x8a: {  	[tilespmem:s16], [sflag:$0x1] =	stream.indirect.gather [hbm4b:s2+s18], $0x80, s26, s18, $0xb8;
	[tilespmem:$0x1FC00] =	vst v63  }
0x8b: {  	_ = 	snop  }
0x8c: {  	[tilespmem:s19], [sflag:$0x2] =	stream.indirect.gather [hbm4b:s2+s18], $0x80, s28, s18, $0xb8;
	[tilespmem:$0x1FC00] =	vst v63  }
0x8d: {  	_ =	swait.ge [sflag:s20], $0x4000  }
0x8e: {  	[sflag:s20] =	ssyncset.done $0x0  }
0x8f: {  	s1 =	simm.s32 $0x2800;
	[sflag:s20] =	ssyncadd.s32 $0xFFFFC000  }
0x90: {  	[spmem:s3] =	stream.indirect.scatter.add.f32 [tilespmem:s16], [sflag:$0x3], $0x80, s1, s18, $0xb8;
	[tilespmem:$0x1FC00] =	vst v63  }
0x91: {  	_ =	swait.ge [sflag:s21], $0x4000  }
0x92: {  	[sflag:s21] =	ssyncset.done $0x0  }
0x93: {  	s1 =	simm.s32 $0x2880;
	[sflag:s21] =	ssyncadd.s32 $0xFFFFC000  }
0x94: {  	[spmem:s3] =	stream.indirect.scatter.add.f32 [tilespmem:s19], [sflag:$0x4], $0x80, s1, s18, $0xb8;
	[tilespmem:$0x1FC00] =	vst v63  }
0x95: {  	_ =	swait.ge [sflag:s22], $0x4000  }
0x96: {  	[sflag:s22] =	ssyncset.done $0x0  }
0x97: {  	s1 =	simm.s32 $0x1500;
	[sflag:s22] =	ssyncadd.s32 $0xFFFFC000  }
0x98: {  	[tilespmem:s16], [sflag:$0x1] =	stream.indirect.gather [hbm4b:s2+s18], $0x80, s1, s18, $0xb8;
	[tilespmem:$0x1FC00] =	vst v63  }
0x99: {  	_ =	swait.ge [sflag:s23], $0x4000  }
0x9a: {  	[sflag:s23] =	ssyncset.done $0x0  }
0x9b: {  	s30 =	simm.s32 $0x400;
	s31 =	simm.s32 $0x1580;
	[sflag:s23] =	ssyncadd.s32 $0xFFFFC000  }
.LBB2_6:
0x9c: {  	[tilespmem:s19], [sflag:$0x2] =	stream.indirect.gather [hbm4b:s2+s18], $0x80, s31, s18, $0xb8;
	[tilespmem:$0x1FC00] =	vst v63  }
0x9d: {  	s1 =	smov.u32 s30  }
0x9e: {  	p0 =	sne.s32 s30, $0x4800;
	s30 =	sadd.s32 $0x400, s30;
	_ =	swait.ge [sflag:s20], $0x4000  }
0x9f: {  	s1 =	sshra.s32 s1, $0x2;
	[sflag:s20] =	ssyncset.done $0x0  }
0xa0: {  	s31 =	sadd.s32 $0x2800, s1;
	[sflag:s20] =	ssyncadd.s32 $0xFFFFC000  }
0xa1: {  	[spmem:s3] =	stream.indirect.scatter.add.f32 [tilespmem:s16], [sflag:$0x3], $0x80, s31, s18, $0xb8;
	[tilespmem:$0x1FC00] =	vst v63  }
0xa2: {  	_ =	swait.ge [sflag:s21], $0x4000  }
0xa3: {  	[sflag:s21] =	ssyncset.done $0x0  }
0xa4: {  	s31 =	sadd.s32 $0x2880, s1;
	[sflag:s21] =	ssyncadd.s32 $0xFFFFC000  }
0xa5: {  	[spmem:s3] =	stream.indirect.scatter.add.f32 [tilespmem:s19], [sflag:$0x4], $0x80, s31, s18, $0xb8;
	[tilespmem:$0x1FC00] =	vst v63  }
0xa6: {  	_ =	swait.ge [sflag:s22], $0x4000  }
0xa7: {  	[sflag:s22] =	ssyncset.done $0x0  }
.Ltmp2:
0xa8: {  	s31 =	sadd.s32 $0x1500, s1;
	[sflag:s22] =	ssyncadd.s32 $0xFFFFC000;
	(pc) =	sbr.rel @p0 .LBB2_6-.Ltmp2, $4  }
0xa9: {  	[tilespmem:s16], [sflag:$0x1] =	stream.indirect.gather [hbm4b:s2+s18], $0x80, s31, s18, $0xb8;
	[tilespmem:$0x1FC00] =	vst v63  }
0xaa: {  	_ =	swait.ge [sflag:s23], $0x4000  }
0xab: {  	[sflag:s23] =	ssyncset.done $0x0  }
0xac: {  	s31 =	sadd.s32 $0x1580, s1;
	[sflag:s23] =	ssyncadd.s32 $0xFFFFC000  }
0xad: {  	[tilespmem:s19], [sflag:$0x2] =	stream.indirect.gather [hbm4b:s2+s18], $0x80, s31, s18, $0xb8;
	[tilespmem:$0x1FC00] =	vst v63  }
0xae: {  	_ =	swait.ge [sflag:s20], $0x4000  }
0xaf: {  	[sflag:s20] =	ssyncset.done $0x0  }
0xb0: {  	[sflag:s20] =	ssyncadd.s32 $0xFFFFC000  }
0xb1: {  	[spmem:s3] =	stream.indirect.scatter.add.f32 [tilespmem:s16], [sflag:$0x3], $0x80, s24, s18, $0xb8;
	[tilespmem:$0x1FC00] =	vst v63  }
0xb2: {  	_ =	swait.ge [sflag:s21], $0x4000  }
0xb3: {  	[sflag:s21] =	ssyncset.done $0x0  }
0xb4: {  	[sflag:s21] =	ssyncadd.s32 $0xFFFFC000  }
0xb5: {  	[spmem:s3] =	stream.indirect.scatter.add.f32 [tilespmem:s19], [sflag:$0x4], $0x80, s25, s18, $0xb8;
	[tilespmem:$0x1FC00] =	vst v63  }
0xb6: {  	_ =	swait.ge [sflag:s22], $0x4000  }
0xb7: {  	[sflag:s22] =	ssyncset.done $0x0  }
0xb8: {  	[sflag:s22] =	ssyncadd.s32 $0xFFFFC000  }
0xb9: {  	_ =	swait.ge [sflag:s23], $0x4000  }
0xba: {  	s1 =	sshll.u32 s0, $0x6;
	s29 =	sadd.s32 $0x1, s29;
	[sflag:s23] =	ssyncset.done $0x0  }
0xbb: {  	s30 =	sshrl.u32 s6, $0x3;
	p0 =	sne.s32 s29, s14;
	[sflag:s23] =	ssyncadd.s32 $0xFFFFC000  }
.Ltmp3:
0xbc: {  	s1 =	sor.u32 $0x1C05, s1;
	[bflag:$0x0] =	sbarrier.arrive $0xFFFF;
	(pc) =	sbr.rel @p0 .LBB2_1-.Ltmp3, $4  }
0xbd: {  	[hbm:s9], [sflag:s1] =	dma.local [spmem:s30], $0x2800  }
0xbe: {  	_ =	swait.ge [sflag:s15], $0x2800  }
0xbf: {  	[sflag:s15] =	ssyncset.done $0x0  }
0xc0: {  	[sflag:s15] =	ssyncadd.s32 $0xFFFFD800  }
0xc1: {  	_ =	sfence.sel $0x180000  }
0xc2: {  	[bflag:$0x0] =	sbarrier.arrive $0xFFFF  }
0xc3: {  	_ =	strace $0x9000004A  }
0xc4: {  	[bflag:$0x2] =	sbarrier.arrive $0xFFFF  }
0xc5: {  	p0 =	sne.s32 s0, $0x0;
	s0 =	rddreg [dreg:$0x3]  }
0xc6: {  	s0 =	sadd.s32 @!p0 $0x100000, s0  }
0xc7: {  	[sflag:s0] =	ssyncadd.tile.s32 @!p0 $0x1;
	_ =	shalt  }
.Lfunc_end2:
_tile_overlayer_lowered:
.L_overlay_start_2:
0xc8: {  	(tag) =	ssettag $0x2  }
0xc9: {  	s0 =	rddreg [dreg:$0x0];
	s2 =	stileid.u32  }
0xca: {  	s1 =	rddreg [dreg:$0x1];
	p0 =	sne.s32 s2, $0x0  }
0xcb: {  	s3 =	rddreg [dreg:$0x2];
	[bflag:$0x3] =	sbarrier.arrive $0xFFFF;
	s2 =	simm.s32 @!p0 $0x1C05  }
0xcc: {  	[timem:s3], [sflag:s2] =	dma.local @!p0 [hbm:s0], s1  }
0xcd: {  	s0 =	simm.s32 @!p0 $0x5  }
0xce: {  	_ =	swait.ge @!p0 [sflag:s0], s1  }
0xcf: {  	s1 =	ssub.s32 @!p0 $0x0, s1;
	[sflag:s0] =	ssyncset.done @!p0 $0x0  }
0xd0: {  	[sflag:s0] =	ssyncadd.s32 @!p0 s1  }
0xd1: {  	[bflag:$0x3] =	sbarrier.arrive $0xFFFF  }
0xd2: {  	_ =	shalt  }

</sc_bundles>
